<compile_context>
chip_gen: v7x
topology: tpu7x:2x2x1
jax: 0.10.2.dev20260603
libtpu: 0.0.44.dev20260713+nightly
codegen_flags: <defaults>
</compile_context>

<pallas_src>
import functools

import jax
import jax.numpy as jnp
from jax import lax
from jax.experimental import pallas as pl
from jax.experimental.pallas import tpu as pltpu
from jax.experimental.pallas import tpu_sc as plsc

_M = 512
_S = 32
_R2 = 0.2 * 0.2

_NW = 32
_MW = _M // 4


def _iota16():
    return lax.iota(jnp.int32, 16)


def _sc_centroids(xyz4f, cidx):
    B, N4 = xyz4f.shape
    N = N4 // 4
    mesh = plsc.VectorSubcoreMesh(core_axis_name="c", subcore_axis_name="s")

    @functools.partial(
        pl.kernel,
        out_type=jax.ShapeDtypeStruct((B, _MW * 4 * 4), jnp.float32),
        mesh=mesh,
        scratch_types=[
            pltpu.VMEM((N * 4,), jnp.float32),
            pltpu.VMEM((_MW,), jnp.int32),
            pltpu.VMEM((_MW * 4,), jnp.float32),
        ],
        compiler_params=pltpu.CompilerParams(needs_layout_passes=False),
    )
    def k(xyz4_hbm, cidx_hbm, out_hbm, xyz_v, cid_v, nx_v):
        wid = lax.axis_index("s") * 2 + lax.axis_index("c")
        b = wid // 4
        m0 = (wid % 4) * _MW
        pltpu.sync_copy(xyz4_hbm.at[b], xyz_v)
        pltpu.sync_copy(cidx_hbm.at[b, pl.ds(m0, _MW)], cid_v)
        lane = _iota16()
        for v in range(_MW * 4 // 16):
            rid = plsc.load_gather(cid_v, [v * 4 + (lane >> 2)])
            val = plsc.load_gather(xyz_v, [rid * 4 + (lane & 3)])
            nx_v[pl.ds(v * 16, 16)] = val
        pltpu.sync_copy(nx_v, out_hbm.at[b, pl.ds(m0 * 4, _MW * 4)])

    return k(xyz4f, cidx)


_MT = 64


def _bq_body(xyzT_ref, nc_ref, out_ref):
    N = xyzT_ref.shape[2]
    X = xyzT_ref[0]
    C = nc_ref[0]
    dx = C[:, 0:1] - X[0:1, :]
    dy = C[:, 1:2] - X[1:2, :]
    dz = C[:, 2:3] - X[2:3, :]
    dist = dx * dx + dy * dy + dz * dz
    m = (dist <= _R2).astype(jnp.int32)
    c = m
    sh = 1
    while sh < N:
        z = jnp.zeros((c.shape[0], sh), jnp.int32)
        c = c + jnp.concatenate([z, c[:, :N - sh]], axis=1)
        sh *= 2
    cols = [jnp.sum((c <= s).astype(jnp.int32), axis=1, keepdims=True)
            for s in range(_S)]
    res = jnp.concatenate(cols, axis=1)
    first = res[:, 0:1]
    out_ref[0] = jnp.where(res >= N, first, res)


def _tc_ballquery(xyzT, nxyz4):
    B, _, N = xyzT.shape
    return pl.pallas_call(
        _bq_body,
        grid=(B, _M // _MT),
        in_specs=[
            pl.BlockSpec((1, 8, N), lambda b, j: (b, 0, 0)),
            pl.BlockSpec((1, _MT, 4), lambda b, j: (b, j, 0)),
        ],
        out_specs=pl.BlockSpec((1, _MT, _S), lambda b, j: (b, j, 0)),
        out_shape=jax.ShapeDtypeStruct((B, _M, _S), jnp.int32),
    )(xyzT, nxyz4)


def _sc_group(xyz4f, featsf, idx128, nxflat):
    B, N4 = xyz4f.shape
    N = N4 // 4
    CH = 64
    mesh = plsc.VectorSubcoreMesh(core_axis_name="c", subcore_axis_name="s")
    n_chunk = _MW * _S // 128

    @functools.partial(
        pl.kernel,
        out_type=(
            jax.ShapeDtypeStruct((B, _M, _S * 4), jnp.float32),
            jax.ShapeDtypeStruct((B * _M * _S, CH), jnp.float32),
        ),
        mesh=mesh,
        scratch_types=[
            pltpu.VMEM((N * 4,), jnp.float32),
            pltpu.VMEM((n_chunk, 128), jnp.int32),
            pltpu.VMEM((n_chunk, 128), jnp.int32),
            pltpu.VMEM((_MW * 4,), jnp.float32),
            pltpu.VMEM((_MW, _S * 4), jnp.float32),
            pltpu.VMEM((128, CH), jnp.float32),
            pltpu.SemaphoreType.DMA,
        ],
        compiler_params=pltpu.CompilerParams(
            needs_layout_passes=False, use_tc_tiling_on_sc=False),
    )
    def k(xyz4_hbm, feats_hbm, idx_hbm, nx_hbm, gx_hbm, gf_hbm,
          xyz_v, idx_v, gidx_v, nx_v, gx_v, fr_v, sem):
        wid = lax.axis_index("s") * 2 + lax.axis_index("c")
        b = wid // 4
        q = wid % 4
        m0 = q * _MW
        pltpu.sync_copy(xyz4_hbm.at[b], xyz_v)
        pltpu.sync_copy(idx_hbm.at[b, pl.ds(q * n_chunk, n_chunk)], idx_v)
        pltpu.sync_copy(nx_hbm.at[b, pl.ds(m0 * 4, _MW * 4)], nx_v)
        lane = _iota16()

        def mk_gidx(kk, _):
            for v in range(8):
                gidx_v[kk, pl.ds(v * 16, 16)] = (
                    idx_v[kk, pl.ds(v * 16, 16)] + b * N)
            return 0
        lax.fori_loop(0, n_chunk, mk_gidx, 0, unroll=False)

        def do_cent(ci, _):
            cen_id = ci * 4 + (lane & 3)
            cen = plsc.load_gather(nx_v, [cen_id])
            for v in range(_S * 4 // 16):
                flat = ci * _S + v * 4 + (lane >> 2)
                pid = plsc.load_gather(idx_v, [flat >> 7, flat & 127])
                val = plsc.load_gather(xyz_v, [pid * 4 + (lane & 3)])
                gx_v[ci, pl.ds(v * 16, 16)] = val - cen
            return 0
        lax.fori_loop(0, _MW, do_cent, 0, unroll=False)
        pltpu.sync_copy(gx_v, gx_hbm.at[b, pl.ds(m0, _MW)])

        def do_chunk(kk, _):
            pltpu.async_copy(feats_hbm.at[gidx_v.at[kk]], fr_v, sem).wait()
            pltpu.sync_copy(
                fr_v, gf_hbm.at[pl.ds(wid * _MW * _S + kk * 128, 128)])
            return 0
        lax.fori_loop(0, n_chunk, do_chunk, 0, unroll=False)

    return k(xyz4f, featsf, idx128, nxflat)


def kernel(xyz, features):
    B, N, _ = xyz.shape
    CH = features.shape[-1]
    cidx = jax.random.randint(jax.random.key(42), (B, _M), 0, N,
                              dtype=jnp.int32)
    xyz4f = jnp.pad(xyz, ((0, 0), (0, 0), (0, 1))).reshape(B, N * 4)
    xyzT = jnp.pad(xyz.transpose(0, 2, 1), ((0, 0), (0, 5), (0, 0)))
    nxflat = _sc_centroids(xyz4f, cidx)
    nxyz4 = nxflat.reshape(B, _M, 4)
    idx = _tc_ballquery(xyzT, nxyz4)
    idx128 = idx.reshape(B, _M * _S // 128, 128)
    featsf = features.reshape(B * N, CH)
    gxyz_p, gfeat = _sc_group(xyz4f, featsf, idx128, nxflat)
    grouped_xyz = gxyz_p.reshape(B, _M, _S, 4)[..., :3]
    new_points = jnp.concatenate(
        [grouped_xyz, gfeat.reshape(B, _M, _S, CH)], axis=-1)
    return (nxyz4[..., :3], new_points, cidx, grouped_xyz)

# --- scband reference (transcript-rebuilt; emitter-appended) ---
"""Pipeline reference for scband-sample-and-group-70446053589570 (READ-ONLY COPY).

The authoritative reference and input builder live on the scoring server;
editing this copy changes nothing except your own understanding.
"""

import jax, jax.numpy as jnp
import numpy as np

N_CENTROID = 512
N_SAMPLES = 32
RADIUS = 0.2


def setup_inputs(seed: int = 0) -> dict:
    key = jax.random.key(seed)
    k1, k2 = jax.random.split(key)
    xyz = jax.random.uniform(k1, (8, 8192, 3), dtype=jnp.float32)
    features = jax.random.normal(k2, (8, 8192, 64), dtype=jnp.float32)
    return {"xyz": xyz, "features": features}


def _gather_point(points, idx):
    # points: (B, N, D), idx: (B, M) -> (B, M, D)
    return jnp.take_along_axis(points, idx[:, :, None], axis=1)


def _group_point(points, idx):
    # points: (B, N, D), idx: (B, M, S) -> (B, M, S, D)
    return jax.vmap(lambda p, i: p[i])(points, idx)


def _query_ball_point(radius, nsample, xyz, new_xyz):
    # xyz: (B, N, 3), new_xyz: (B, M, 3) -> idx (B, M, nsample) int32
    B, N, _ = xyz.shape
    dist = jnp.sum((new_xyz[:, :, None, :] - xyz[:, None, :, :]) ** 2, axis=-1)  # (B, M, N)
    mask = dist <= radius * radius
    arange = jnp.arange(N, dtype=jnp.int32)
    cand = jnp.where(mask, arange[None, None, :], jnp.int32(N))
    cand = jnp.sort(cand, axis=-1)[:, :, :nsample]
    first = cand[:, :, :1]
    idx = jnp.where(cand == N, first, cand)
    idx = jnp.where(idx == N, jnp.int32(0), idx)  # degenerate fallback (never hit: centroid is its own neighbor)
    return idx


def reference(xyz, features):
    B, N, _ = xyz.shape
    # random=True: uniform random sampling of centroids (tf.multinomial over zero logits == uniform)
    centroid_idx = jax.random.randint(jax.random.key(42), (B, N_CENTROID), 0, N, dtype=jnp.int32)
    new_xyz = _gather_point(xyz, centroid_idx)  # (B, M, 3)
    idx = _query_ball_point(RADIUS, N_SAMPLES, xyz, new_xyz)  # (B, M, S)
    grouped_xyz = _group_point(xyz, idx)  # (B, M, S, 3)
    grouped_xyz = grouped_xyz - new_xyz[:, :, None, :]
    grouped_points = _group_point(features, idx)  # (B, M, S, C)
    new_points = jnp.concatenate([grouped_xyz, grouped_points], axis=-1)  # (B, M, S, 3+C)
    return (new_xyz, new_points, centroid_idx, grouped_xyz)

if __name__ == "__main__":
    import jax
    _d = setup_inputs()
    print(jax.jit(kernel)(*tuple(_d.values())))

</pallas_src>

<mosaic_0001>
#map = affine_map<(d0, d1) -> (0, 0)>
#map1 = affine_map<(d0, d1) -> (0, 0, 0)>
module attributes {stable_mosaic.version = 14 : i64} {
  func.func @k(%arg0: i32, %arg1: i32, %arg2: memref<8x32768xf32, #tpu.memory_space<hbm>>, %arg3: memref<65536x64xf32, #tpu.memory_space<hbm>>, %arg4: memref<8x128x128xi32, #tpu.memory_space<hbm>>, %arg5: memref<8x2048xf32, #tpu.memory_space<hbm>>, %arg6: memref<8x512x128xf32, #tpu.memory_space<hbm>>, %arg7: memref<131072x64xf32, #tpu.memory_space<hbm>>, %arg8: memref<32768xf32, #tpu.memory_space<vmem>>, %arg9: memref<32x128xi32, #tpu.memory_space<vmem>>, %arg10: memref<32x128xi32, #tpu.memory_space<vmem>>, %arg11: memref<512xf32, #tpu.memory_space<vmem>>, %arg12: memref<128x128xf32, #tpu.memory_space<vmem>>, %arg13: memref<128x64xf32, #tpu.memory_space<vmem>>, %arg14: memref<!tpu.dma_semaphore, #tpu.memory_space<semaphore_mem>>) attributes {dimension_semantics = [#tpu.dimension_semantics<core_parallel>, #tpu.dimension_semantics<subcore_parallel>], iteration_bounds = array<i64: 2, 16>, scalar_prefetch = 0 : i64, scratch_operands = 7 : i64, tpu.core_type = #tpu.core_type<sc_vector_subcore>, window_params = [{transform_indices = #map}, {transform_indices = #map}, {transform_indices = #map1}, {transform_indices = #map}, {transform_indices = #map1}, {transform_indices = #map}]} {
    %mul3A = arith.constant 2 : i32
    %mul3A_0 = arith.muli %arg1, %mul3A : i32
    %add3A = arith.addi %mul3A_0, %arg0 : i32
    %jit3A = arith.constant 4 : i32
    %div3A = arith.divsi %add3A, %jit3A : i32
    %sign3A = arith.constant 0 : i32
    %sign3A_1 = arith.cmpi sgt, %add3A, %sign3A : i32
    %sign3A_2 = arith.extui %sign3A_1 : i1 to i32
    %sign3A_3 = arith.constant 0 : i32
    %sign3A_4 = arith.cmpi slt, %add3A, %sign3A_3 : i32
    %sign3A_5 = arith.extui %sign3A_4 : i1 to i32
    %sign3A_6 = arith.subi %sign3A_2, %sign3A_5 : i32
    %sign3A_7 = arith.constant 0 : i32
    %sign3A_8 = arith.cmpi sgt, %jit3A, %sign3A_7 : i32
    %sign3A_9 = arith.extui %sign3A_8 : i1 to i32
    %sign3A_10 = arith.constant 0 : i32
    %sign3A_11 = arith.cmpi slt, %jit3A, %sign3A_10 : i32
    %sign3A_12 = arith.extui %sign3A_11 : i1 to i32
    %sign3A_13 = arith.subi %sign3A_9, %sign3A_12 : i32
    %ne3A = arith.cmpi ne, %sign3A_6, %sign3A_13 : i32
    %rem3A = arith.remsi %add3A, %jit3A : i32
    %ne3A_14 = arith.constant 0 : i32
    %ne3A_15 = arith.cmpi ne, %rem3A, %ne3A_14 : i32
    %and3A = arith.andi %ne3A, %ne3A_15 : i1
    %sub3A = arith.constant 1 : i32
    %sub3A_16 = arith.subi %div3A, %sub3A : i32
    %select_n3A = arith.select %and3A, %sub3A_16, %div3A : i32
    %jit3A_17 = arith.constant 4 : i32
    %eq3A = arith.constant 0 : i32
    %eq3A_18 = arith.cmpi eq, %jit3A_17, %eq3A : i32
    %jit3A_19 = arith.constant 1 : i32
    %select_n3A_20 = arith.select %eq3A_18, %jit3A_19, %jit3A_17 : i32
    %rem3A_21 = arith.remsi %add3A, %select_n3A_20 : i32
    %ne3A_22 = arith.constant 0 : i32
    %ne3A_23 = arith.cmpi ne, %rem3A_21, %ne3A_22 : i32
    %lt3A = arith.constant 0 : i32
    %lt3A_24 = arith.cmpi slt, %rem3A_21, %lt3A : i32
    %lt3A_25 = arith.constant 0 : i32
    %lt3A_26 = arith.cmpi slt, %select_n3A_20, %lt3A_25 : i32
    %ne3A_27 = arith.xori %lt3A_24, %lt3A_26 : i1
    %and3A_28 = arith.andi %ne3A_27, %ne3A_23 : i1
    %add3A_29 = arith.addi %rem3A_21, %select_n3A_20 : i32
    %select_n3A_30 = arith.select %and3A_28, %add3A_29, %rem3A_21 : i32
    %mul3A_31 = arith.constant 128 : i32
    %mul3A_32 = arith.muli %select_n3A_30, %mul3A_31 : i32
    "tpu.region"() ({
      %run_scoped3A = tpu.sem_alloc : memref<!tpu.dma_semaphore, #tpu.memory_space<semaphore_mem>>
      %dma_start3A = arith.constant 0 : i32
      %dma_start3A_57 = tpu.memref_slice %arg2[%select_n3A, %dma_start3A] : memref<8x32768xf32, #tpu.memory_space<hbm>> -> memref<1x32768xf32, #tpu.memory_space<hbm>>
      %dma_start3A_58 = tpu.memref_squeeze %dma_start3A_57 : memref<1x32768xf32, #tpu.memory_space<hbm>> -> memref<32768xf32, #tpu.memory_space<hbm>>
      %dma_start3A_59 = arith.constant 0 : i32
      %dma_start3A_60 = tpu.memref_slice %arg2[%select_n3A, %dma_start3A_59] : memref<8x32768xf32, #tpu.memory_space<hbm>> -> memref<1x32768xf32, #tpu.memory_space<hbm>>
      %dma_start3A_61 = tpu.memref_squeeze %dma_start3A_60 : memref<1x32768xf32, #tpu.memory_space<hbm>> -> memref<32768xf32, #tpu.memory_space<hbm>>
      tpu.enqueue_dma source(%dma_start3A_61 : memref<32768xf32, #tpu.memory_space<hbm>>) target(%arg8 : memref<32768xf32, #tpu.memory_space<vmem>>) target_semaphore(%run_scoped3A : memref<!tpu.dma_semaphore, #tpu.memory_space<semaphore_mem>>)
      %dma_wait3A = arith.constant 0 : i32
      %dma_wait3A_62 = tpu.memref_slice %arg2[%select_n3A, %dma_wait3A] : memref<8x32768xf32, #tpu.memory_space<hbm>> -> memref<1x32768xf32, #tpu.memory_space<hbm>>
      %dma_wait3A_63 = tpu.memref_squeeze %dma_wait3A_62 : memref<1x32768xf32, #tpu.memory_space<hbm>> -> memref<32768xf32, #tpu.memory_space<hbm>>
      %dma_wait3A_64 = arith.constant 0 : i32
      %dma_wait3A_65 = tpu.memref_slice %arg2[%select_n3A, %dma_wait3A_64] : memref<8x32768xf32, #tpu.memory_space<hbm>> -> memref<1x32768xf32, #tpu.memory_space<hbm>>
      %dma_wait3A_66 = tpu.memref_squeeze %dma_wait3A_65 : memref<1x32768xf32, #tpu.memory_space<hbm>> -> memref<32768xf32, #tpu.memory_space<hbm>>
      tpu.wait_dma2 semaphore(%run_scoped3A : memref<!tpu.dma_semaphore, #tpu.memory_space<semaphore_mem>>) src(%dma_wait3A_66 : memref<32768xf32, #tpu.memory_space<hbm>>) dst(%arg8 : memref<32768xf32, #tpu.memory_space<vmem>>)
      tpu.yield
    }) : () -> ()
    %mul3A_33 = arith.constant 32 : i32
    %mul3A_34 = arith.muli %select_n3A_30, %mul3A_33 : i32
    "tpu.region"() ({
      %run_scoped3A = tpu.sem_alloc : memref<!tpu.dma_semaphore, #tpu.memory_space<semaphore_mem>>
      %dma_start3A = arith.constant 0 : i32
      %dma_start3A_57 = tpu.memref_slice %arg4[%select_n3A, %mul3A_34, %dma_start3A] : memref<8x128x128xi32, #tpu.memory_space<hbm>> -> memref<1x32x128xi32, #tpu.memory_space<hbm>>
      %dma_start3A_58 = tpu.memref_squeeze %dma_start3A_57 : memref<1x32x128xi32, #tpu.memory_space<hbm>> -> memref<32x128xi32, #tpu.memory_space<hbm>>
      %dma_start3A_59 = arith.constant 0 : i32
      %dma_start3A_60 = tpu.memref_slice %arg4[%select_n3A, %mul3A_34, %dma_start3A_59] : memref<8x128x128xi32, #tpu.memory_space<hbm>> -> memref<1x32x128xi32, #tpu.memory_space<hbm>>
      %dma_start3A_61 = tpu.memref_squeeze %dma_start3A_60 : memref<1x32x128xi32, #tpu.memory_space<hbm>> -> memref<32x128xi32, #tpu.memory_space<hbm>>
      tpu.enqueue_dma source(%dma_start3A_61 : memref<32x128xi32, #tpu.memory_space<hbm>>) target(%arg9 : memref<32x128xi32, #tpu.memory_space<vmem>>) target_semaphore(%run_scoped3A : memref<!tpu.dma_semaphore, #tpu.memory_space<semaphore_mem>>)
      %dma_wait3A = arith.constant 0 : i32
      %dma_wait3A_62 = tpu.memref_slice %arg4[%select_n3A, %mul3A_34, %dma_wait3A] : memref<8x128x128xi32, #tpu.memory_space<hbm>> -> memref<1x32x128xi32, #tpu.memory_space<hbm>>
      %dma_wait3A_63 = tpu.memref_squeeze %dma_wait3A_62 : memref<1x32x128xi32, #tpu.memory_space<hbm>> -> memref<32x128xi32, #tpu.memory_space<hbm>>
      %dma_wait3A_64 = arith.constant 0 : i32
      %dma_wait3A_65 = tpu.memref_slice %arg4[%select_n3A, %mul3A_34, %dma_wait3A_64] : memref<8x128x128xi32, #tpu.memory_space<hbm>> -> memref<1x32x128xi32, #tpu.memory_space<hbm>>
      %dma_wait3A_66 = tpu.memref_squeeze %dma_wait3A_65 : memref<1x32x128xi32, #tpu.memory_space<hbm>> -> memref<32x128xi32, #tpu.memory_space<hbm>>
      tpu.wait_dma2 semaphore(%run_scoped3A : memref<!tpu.dma_semaphore, #tpu.memory_space<semaphore_mem>>) src(%dma_wait3A_66 : memref<32x128xi32, #tpu.memory_space<hbm>>) dst(%arg9 : memref<32x128xi32, #tpu.memory_space<vmem>>)
      tpu.yield
    }) : () -> ()
    %mul3A_35 = arith.constant 4 : i32
    %mul3A_36 = arith.muli %mul3A_32, %mul3A_35 : i32
    "tpu.region"() ({
      %run_scoped3A = tpu.sem_alloc : memref<!tpu.dma_semaphore, #tpu.memory_space<semaphore_mem>>
      %dma_start3A = tpu.memref_slice %arg5[%select_n3A, %mul3A_36] : memref<8x2048xf32, #tpu.memory_space<hbm>> -> memref<1x512xf32, #tpu.memory_space<hbm>>
      %dma_start3A_57 = tpu.memref_squeeze %dma_start3A : memref<1x512xf32, #tpu.memory_space<hbm>> -> memref<512xf32, #tpu.memory_space<hbm>>
      %dma_start3A_58 = tpu.memref_slice %arg5[%select_n3A, %mul3A_36] : memref<8x2048xf32, #tpu.memory_space<hbm>> -> memref<1x512xf32, #tpu.memory_space<hbm>>
      %dma_start3A_59 = tpu.memref_squeeze %dma_start3A_58 : memref<1x512xf32, #tpu.memory_space<hbm>> -> memref<512xf32, #tpu.memory_space<hbm>>
      tpu.enqueue_dma source(%dma_start3A_59 : memref<512xf32, #tpu.memory_space<hbm>>) target(%arg11 : memref<512xf32, #tpu.memory_space<vmem>>) target_semaphore(%run_scoped3A : memref<!tpu.dma_semaphore, #tpu.memory_space<semaphore_mem>>)
      %dma_wait3A = tpu.memref_slice %arg5[%select_n3A, %mul3A_36] : memref<8x2048xf32, #tpu.memory_space<hbm>> -> memref<1x512xf32, #tpu.memory_space<hbm>>
      %dma_wait3A_60 = tpu.memref_squeeze %dma_wait3A : memref<1x512xf32, #tpu.memory_space<hbm>> -> memref<512xf32, #tpu.memory_space<hbm>>
      %dma_wait3A_61 = tpu.memref_slice %arg5[%select_n3A, %mul3A_36] : memref<8x2048xf32, #tpu.memory_space<hbm>> -> memref<1x512xf32, #tpu.memory_space<hbm>>
      %dma_wait3A_62 = tpu.memref_squeeze %dma_wait3A_61 : memref<1x512xf32, #tpu.memory_space<hbm>> -> memref<512xf32, #tpu.memory_space<hbm>>
      tpu.wait_dma2 semaphore(%run_scoped3A : memref<!tpu.dma_semaphore, #tpu.memory_space<semaphore_mem>>) src(%dma_wait3A_62 : memref<512xf32, #tpu.memory_space<hbm>>) dst(%arg11 : memref<512xf32, #tpu.memory_space<vmem>>)
      tpu.yield
    }) : () -> ()
    %iota3A = tpu.iota {dimensions = array<i32: 0>} : vector<16xi32>
    %scan3A = arith.constant 0 : i32
    %scan3A_37 = arith.constant 0 : i32
    %scan3A_38 = arith.constant 32 : i32
    %scan3A_39 = arith.addi %scan3A_37, %scan3A_38 : i32
    %scan3A_40 = arith.constant 1 : i32
    %scan3A_41 = scf.for %scan3A_57 = %scan3A_37 to %scan3A_39 step %scan3A_40 iter_args(%scan3A_58 = %scan3A) -> (i32)  : i32 {
      %get3A = arith.index_cast %scan3A_57 : i32 to index
      %get3A_59 = arith.constant 0 : index
      %get3A_60 = tpu.vector_load %arg9[%get3A, %get3A_59] {strides = array<i32>} : memref<32x128xi32, #tpu.memory_space<vmem>>, vector<16xi32>,
      %mul3A_61 = arith.constant 8192 : i32
      %mul3A_62 = arith.muli %select_n3A, %mul3A_61 : i32
      %add3A_63 = vector.broadcast %mul3A_62 : i32 to vector<16xi32>
      %add3A_64 = arith.addi %get3A_60, %add3A_63 : vector<16xi32>
      %swap3A = arith.index_cast %scan3A_57 : i32 to index
      %swap3A_65 = arith.constant 0 : index
      %swap3A_66 = tpu.vector_load %arg10[%swap3A, %swap3A_65] {strides = array<i32>} : memref<32x128xi32, #tpu.memory_space<vmem>>, vector<16xi32>,
      tpu.vector_store %arg10[%swap3A, %swap3A_65], %add3A_64 {strides = array<i32>} : memref<32x128xi32, #tpu.memory_space<vmem>>, vector<16xi32>,
      %get3A_67 = arith.index_cast %scan3A_57 : i32 to index
      %get3A_68 = arith.constant 16 : index
      %get3A_69 = tpu.vector_load %arg9[%get3A_67, %get3A_68] {strides = array<i32>} : memref<32x128xi32, #tpu.memory_space<vmem>>, vector<16xi32>,
      %mul3A_70 = arith.constant 8192 : i32
      %mul3A_71 = arith.muli %select_n3A, %mul3A_70 : i32
      %add3A_72 = vector.broadcast %mul3A_71 : i32 to vector<16xi32>
      %add3A_73 = arith.addi %get3A_69, %add3A_72 : vector<16xi32>
      %swap3A_74 = arith.index_cast %scan3A_57 : i32 to index
      %swap3A_75 = arith.constant 16 : index
      %swap3A_76 = tpu.vector_load %arg10[%swap3A_74, %swap3A_75] {strides = array<i32>} : memref<32x128xi32, #tpu.memory_space<vmem>>, vector<16xi32>,
      tpu.vector_store %arg10[%swap3A_74, %swap3A_75], %add3A_73 {strides = array<i32>} : memref<32x128xi32, #tpu.memory_space<vmem>>, vector<16xi32>,
      %get3A_77 = arith.index_cast %scan3A_57 : i32 to index
      %get3A_78 = arith.constant 32 : index
      %get3A_79 = tpu.vector_load %arg9[%get3A_77, %get3A_78] {strides = array<i32>} : memref<32x128xi32, #tpu.memory_space<vmem>>, vector<16xi32>,
      %mul3A_80 = arith.constant 8192 : i32
      %mul3A_81 = arith.muli %select_n3A, %mul3A_80 : i32
      %add3A_82 = vector.broadcast %mul3A_81 : i32 to vector<16xi32>
      %add3A_83 = arith.addi %get3A_79, %add3A_82 : vector<16xi32>
      %swap3A_84 = arith.index_cast %scan3A_57 : i32 to index
      %swap3A_85 = arith.constant 32 : index
      %swap3A_86 = tpu.vector_load %arg10[%swap3A_84, %swap3A_85] {strides = array<i32>} : memref<32x128xi32, #tpu.memory_space<vmem>>, vector<16xi32>,
      tpu.vector_store %arg10[%swap3A_84, %swap3A_85], %add3A_83 {strides = array<i32>} : memref<32x128xi32, #tpu.memory_space<vmem>>, vector<16xi32>,
      %get3A_87 = arith.index_cast %scan3A_57 : i32 to index
      %get3A_88 = arith.constant 48 : index
      %get3A_89 = tpu.vector_load %arg9[%get3A_87, %get3A_88] {strides = array<i32>} : memref<32x128xi32, #tpu.memory_space<vmem>>, vector<16xi32>,
      %mul3A_90 = arith.constant 8192 : i32
      %mul3A_91 = arith.muli %select_n3A, %mul3A_90 : i32
      %add3A_92 = vector.broadcast %mul3A_91 : i32 to vector<16xi32>
      %add3A_93 = arith.addi %get3A_89, %add3A_92 : vector<16xi32>
      %swap3A_94 = arith.index_cast %scan3A_57 : i32 to index
      %swap3A_95 = arith.constant 48 : index
      %swap3A_96 = tpu.vector_load %arg10[%swap3A_94, %swap3A_95] {strides = array<i32>} : memref<32x128xi32, #tpu.memory_space<vmem>>, vector<16xi32>,
      tpu.vector_store %arg10[%swap3A_94, %swap3A_95], %add3A_93 {strides = array<i32>} : memref<32x128xi32, #tpu.memory_space<vmem>>, vector<16xi32>,
      %get3A_97 = arith.index_cast %scan3A_57 : i32 to index
      %get3A_98 = arith.constant 64 : index
      %get3A_99 = tpu.vector_load %arg9[%get3A_97, %get3A_98] {strides = array<i32>} : memref<32x128xi32, #tpu.memory_space<vmem>>, vector<16xi32>,
      %mul3A_100 = arith.constant 8192 : i32
      %mul3A_101 = arith.muli %select_n3A, %mul3A_100 : i32
      %add3A_102 = vector.broadcast %mul3A_101 : i32 to vector<16xi32>
      %add3A_103 = arith.addi %get3A_99, %add3A_102 : vector<16xi32>
      %swap3A_104 = arith.index_cast %scan3A_57 : i32 to index
      %swap3A_105 = arith.constant 64 : index
      %swap3A_106 = tpu.vector_load %arg10[%swap3A_104, %swap3A_105] {strides = array<i32>} : memref<32x128xi32, #tpu.memory_space<vmem>>, vector<16xi32>,
      tpu.vector_store %arg10[%swap3A_104, %swap3A_105], %add3A_103 {strides = array<i32>} : memref<32x128xi32, #tpu.memory_space<vmem>>, vector<16xi32>,
      %get3A_107 = arith.index_cast %scan3A_57 : i32 to index
      %get3A_108 = arith.constant 80 : index
      %get3A_109 = tpu.vector_load %arg9[%get3A_107, %get3A_108] {strides = array<i32>} : memref<32x128xi32, #tpu.memory_space<vmem>>, vector<16xi32>,
      %mul3A_110 = arith.constant 8192 : i32
      %mul3A_111 = arith.muli %select_n3A, %mul3A_110 : i32
      %add3A_112 = vector.broadcast %mul3A_111 : i32 to vector<16xi32>
      %add3A_113 = arith.addi %get3A_109, %add3A_112 : vector<16xi32>
      %swap3A_114 = arith.index_cast %scan3A_57 : i32 to index
      %swap3A_115 = arith.constant 80 : index
      %swap3A_116 = tpu.vector_load %arg10[%swap3A_114, %swap3A_115] {strides = array<i32>} : memref<32x128xi32, #tpu.memory_space<vmem>>, vector<16xi32>,
      tpu.vector_store %arg10[%swap3A_114, %swap3A_115], %add3A_113 {strides = array<i32>} : memref<32x128xi32, #tpu.memory_space<vmem>>, vector<16xi32>,
      %get3A_117 = arith.index_cast %scan3A_57 : i32 to index
      %get3A_118 = arith.constant 96 : index
      %get3A_119 = tpu.vector_load %arg9[%get3A_117, %get3A_118] {strides = array<i32>} : memref<32x128xi32, #tpu.memory_space<vmem>>, vector<16xi32>,
      %mul3A_120 = arith.constant 8192 : i32
      %mul3A_121 = arith.muli %select_n3A, %mul3A_120 : i32
      %add3A_122 = vector.broadcast %mul3A_121 : i32 to vector<16xi32>
      %add3A_123 = arith.addi %get3A_119, %add3A_122 : vector<16xi32>
      %swap3A_124 = arith.index_cast %scan3A_57 : i32 to index
      %swap3A_125 = arith.constant 96 : index
      %swap3A_126 = tpu.vector_load %arg10[%swap3A_124, %swap3A_125] {strides = array<i32>} : memref<32x128xi32, #tpu.memory_space<vmem>>, vector<16xi32>,
      tpu.vector_store %arg10[%swap3A_124, %swap3A_125], %add3A_123 {strides = array<i32>} : memref<32x128xi32, #tpu.memory_space<vmem>>, vector<16xi32>,
      %get3A_127 = arith.index_cast %scan3A_57 : i32 to index
      %get3A_128 = arith.constant 112 : index
      %get3A_129 = tpu.vector_load %arg9[%get3A_127, %get3A_128] {strides = array<i32>} : memref<32x128xi32, #tpu.memory_space<vmem>>, vector<16xi32>,
      %mul3A_130 = arith.constant 8192 : i32
      %mul3A_131 = arith.muli %select_n3A, %mul3A_130 : i32
      %add3A_132 = vector.broadcast %mul3A_131 : i32 to vector<16xi32>
      %add3A_133 = arith.addi %get3A_129, %add3A_132 : vector<16xi32>
      %swap3A_134 = arith.index_cast %scan3A_57 : i32 to index
      %swap3A_135 = arith.constant 112 : index
      %swap3A_136 = tpu.vector_load %arg10[%swap3A_134, %swap3A_135] {strides = array<i32>} : memref<32x128xi32, #tpu.memory_space<vmem>>, vector<16xi32>,
      tpu.vector_store %arg10[%swap3A_134, %swap3A_135], %add3A_133 {strides = array<i32>} : memref<32x128xi32, #tpu.memory_space<vmem>>, vector<16xi32>,
      %scan3A_137 = arith.constant 0 : i32
      scf.yield %scan3A_137 : i32
    }
    %scan3A_42 = arith.constant 32 : i32
    %scan3A_43 = arith.constant 0 : i32
    %scan3A_44 = arith.constant 0 : i32
    %scan3A_45 = arith.constant 128 : i32
    %scan3A_46 = arith.addi %scan3A_44, %scan3A_45 : i32
    %scan3A_47 = arith.constant 1 : i32
    %scan3A_48 = scf.for %scan3A_57 = %scan3A_44 to %scan3A_46 step %scan3A_47 iter_args(%scan3A_58 = %scan3A_43) -> (i32)  : i32 {
      %mul3A_59 = arith.constant 4 : i32
      %mul3A_60 = arith.muli %scan3A_57, %mul3A_59 : i32
      %and3A_61 = arith.constant 3 : i32
      %and3A_62 = vector.broadcast %and3A_61 : i32 to vector<16xi32>
      %and3A_63 = arith.andi %iota3A, %and3A_62 : vector<16xi32>
      %add3A_64 = vector.broadcast %mul3A_60 : i32 to vector<16xi32>
      %add3A_65 = arith.addi %add3A_64, %and3A_63 : vector<16xi32>
      %gather3A = tpu.vector_load_idx %arg11[%add3A_65] : memref<512xf32, #tpu.memory_space<vmem>>[vector<16xi32>], vector<16xf32>,
      %mul3A_66 = arith.constant 32 : i32
      %mul3A_67 = arith.muli %scan3A_57, %mul3A_66 : i32
      %add3A_68 = arith.constant 0 : i32
      %add3A_69 = arith.addi %mul3A_67, %add3A_68 : i32
      %shift_right_arithmetic3A = arith.constant 2 : i32
      %shift_right_arithmetic3A_70 = vector.broadcast %shift_right_arithmetic3A : i32 to vector<16xi32>
      %shift_right_arithmetic3A_71 = arith.shrsi %iota3A, %shift_right_arithmetic3A_70 : vector<16xi32>
      %add3A_72 = vector.broadcast %add3A_69 : i32 to vector<16xi32>
      %add3A_73 = arith.addi %add3A_72, %shift_right_arithmetic3A_71 : vector<16xi32>
      %shift_right_arithmetic3A_74 = arith.constant 7 : i32
      %shift_right_arithmetic3A_75 = vector.broadcast %shift_right_arithmetic3A_74 : i32 to vector<16xi32>
      %shift_right_arithmetic3A_76 = arith.shrsi %add3A_73, %shift_right_arithmetic3A_75 : vector<16xi32>
      %and3A_77 = arith.constant 127 : i32
      %and3A_78 = vector.broadcast %and3A_77 : i32 to vector<16xi32>
      %and3A_79 = arith.andi %add3A_73, %and3A_78 : vector<16xi32>
      %gather3A_80 = tpu.vector_load_idx %arg9[%shift_right_arithmetic3A_76, %and3A_79] : memref<32x128xi32, #tpu.memory_space<vmem>>[vector<16xi32>, vector<16xi32>], vector<16xi32>,
      %mul3A_81 = arith.constant 4 : i32
      %mul3A_82 = vector.broadcast %mul3A_81 : i32 to vector<16xi32>
      %mul3A_83 = arith.muli %gather3A_80, %mul3A_82 : vector<16xi32>
      %and3A_84 = arith.constant 3 : i32
      %and3A_85 = vector.broadcast %and3A_84 : i32 to vector<16xi32>
      %and3A_86 = arith.andi %iota3A, %and3A_85 : vector<16xi32>
      %add3A_87 = arith.addi %mul3A_83, %and3A_86 : vector<16xi32>
      %gather3A_88 = tpu.vector_load_idx %arg8[%add3A_87] : memref<32768xf32, #tpu.memory_space<vmem>>[vector<16xi32>], vector<16xf32>,
      %sub3A_89 = arith.subf %gather3A_88, %gather3A : vector<16xf32>
      %swap3A = arith.index_cast %scan3A_57 : i32 to index
      %swap3A_90 = arith.constant 0 : index
      %swap3A_91 = tpu.vector_load %arg12[%swap3A, %swap3A_90] {strides = array<i32>} : memref<128x128xf32, #tpu.memory_space<vmem>>, vector<16xf32>,
      tpu.vector_store %arg12[%swap3A, %swap3A_90], %sub3A_89 {strides = array<i32>} : memref<128x128xf32, #tpu.memory_space<vmem>>, vector<16xf32>,
      %mul3A_92 = arith.constant 32 : i32
      %mul3A_93 = arith.muli %scan3A_57, %mul3A_92 : i32
      %add3A_94 = arith.constant 4 : i32
      %add3A_95 = arith.addi %mul3A_93, %add3A_94 : i32
      %shift_right_arithmetic3A_96 = arith.constant 2 : i32
      %shift_right_arithmetic3A_97 = vector.broadcast %shift_right_arithmetic3A_96 : i32 to vector<16xi32>
      %shift_right_arithmetic3A_98 = arith.shrsi %iota3A, %shift_right_arithmetic3A_97 : vector<16xi32>
      %add3A_99 = vector.broadcast %add3A_95 : i32 to vector<16xi32>
      %add3A_100 = arith.addi %add3A_99, %shift_right_arithmetic3A_98 : vector<16xi32>
      %shift_right_arithmetic3A_101 = arith.constant 7 : i32
      %shift_right_arithmetic3A_102 = vector.broadcast %shift_right_arithmetic3A_101 : i32 to vector<16xi32>
      %shift_right_arithmetic3A_103 = arith.shrsi %add3A_100, %shift_right_arithmetic3A_102 : vector<16xi32>
      %and3A_104 = arith.constant 127 : i32
      %and3A_105 = vector.broadcast %and3A_104 : i32 to vector<16xi32>
      %and3A_106 = arith.andi %add3A_100, %and3A_105 : vector<16xi32>
      %gather3A_107 = tpu.vector_load_idx %arg9[%shift_right_arithmetic3A_103, %and3A_106] : memref<32x128xi32, #tpu.memory_space<vmem>>[vector<16xi32>, vector<16xi32>], vector<16xi32>,
      %mul3A_108 = arith.constant 4 : i32
      %mul3A_109 = vector.broadcast %mul3A_108 : i32 to vector<16xi32>
      %mul3A_110 = arith.muli %gather3A_107, %mul3A_109 : vector<16xi32>
      %and3A_111 = arith.constant 3 : i32
      %and3A_112 = vector.broadcast %and3A_111 : i32 to vector<16xi32>
      %and3A_113 = arith.andi %iota3A, %and3A_112 : vector<16xi32>
      %add3A_114 = arith.addi %mul3A_110, %and3A_113 : vector<16xi32>
      %gather3A_115 = tpu.vector_load_idx %arg8[%add3A_114] : memref<32768xf32, #tpu.memory_space<vmem>>[vector<16xi32>], vector<16xf32>,
      %sub3A_116 = arith.subf %gather3A_115, %gather3A : vector<16xf32>
      %swap3A_117 = arith.index_cast %scan3A_57 : i32 to index
      %swap3A_118 = arith.constant 16 : index
      %swap3A_119 = tpu.vector_load %arg12[%swap3A_117, %swap3A_118] {strides = array<i32>} : memref<128x128xf32, #tpu.memory_space<vmem>>, vector<16xf32>,
      tpu.vector_store %arg12[%swap3A_117, %swap3A_118], %sub3A_116 {strides = array<i32>} : memref<128x128xf32, #tpu.memory_space<vmem>>, vector<16xf32>,
      %mul3A_120 = arith.constant 32 : i32
      %mul3A_121 = arith.muli %scan3A_57, %mul3A_120 : i32
      %add3A_122 = arith.constant 8 : i32
      %add3A_123 = arith.addi %mul3A_121, %add3A_122 : i32
      %shift_right_arithmetic3A_124 = arith.constant 2 : i32
      %shift_right_arithmetic3A_125 = vector.broadcast %shift_right_arithmetic3A_124 : i32 to vector<16xi32>
      %shift_right_arithmetic3A_126 = arith.shrsi %iota3A, %shift_right_arithmetic3A_125 : vector<16xi32>
      %add3A_127 = vector.broadcast %add3A_123 : i32 to vector<16xi32>
      %add3A_128 = arith.addi %add3A_127, %shift_right_arithmetic3A_126 : vector<16xi32>
      %shift_right_arithmetic3A_129 = arith.constant 7 : i32
      %shift_right_arithmetic3A_130 = vector.broadcast %shift_right_arithmetic3A_129 : i32 to vector<16xi32>
      %shift_right_arithmetic3A_131 = arith.shrsi %add3A_128, %shift_right_arithmetic3A_130 : vector<16xi32>
      %and3A_132 = arith.constant 127 : i32
      %and3A_133 = vector.broadcast %and3A_132 : i32 to vector<16xi32>
      %and3A_134 = arith.andi %add3A_128, %and3A_133 : vector<16xi32>
      %gather3A_135 = tpu.vector_load_idx %arg9[%shift_right_arithmetic3A_131, %and3A_134] : memref<32x128xi32, #tpu.memory_space<vmem>>[vector<16xi32>, vector<16xi32>], vector<16xi32>,
      %mul3A_136 = arith.constant 4 : i32
      %mul3A_137 = vector.broadcast %mul3A_136 : i32 to vector<16xi32>
      %mul3A_138 = arith.muli %gather3A_135, %mul3A_137 : vector<16xi32>
      %and3A_139 = arith.constant 3 : i32
      %and3A_140 = vector.broadcast %and3A_139 : i32 to vector<16xi32>
      %and3A_141 = arith.andi %iota3A, %and3A_140 : vector<16xi32>
      %add3A_142 = arith.addi %mul3A_138, %and3A_141 : vector<16xi32>
      %gather3A_143 = tpu.vector_load_idx %arg8[%add3A_142] : memref<32768xf32, #tpu.memory_space<vmem>>[vector<16xi32>], vector<16xf32>,
      %sub3A_144 = arith.subf %gather3A_143, %gather3A : vector<16xf32>
      %swap3A_145 = arith.index_cast %scan3A_57 : i32 to index
      %swap3A_146 = arith.constant 32 : index
      %swap3A_147 = tpu.vector_load %arg12[%swap3A_145, %swap3A_146] {strides = array<i32>} : memref<128x128xf32, #tpu.memory_space<vmem>>, vector<16xf32>,
      tpu.vector_store %arg12[%swap3A_145, %swap3A_146], %sub3A_144 {strides = array<i32>} : memref<128x128xf32, #tpu.memory_space<vmem>>, vector<16xf32>,
      %mul3A_148 = arith.constant 32 : i32
      %mul3A_149 = arith.muli %scan3A_57, %mul3A_148 : i32
      %add3A_150 = arith.constant 12 : i32
      %add3A_151 = arith.addi %mul3A_149, %add3A_150 : i32
      %shift_right_arithmetic3A_152 = arith.constant 2 : i32
      %shift_right_arithmetic3A_153 = vector.broadcast %shift_right_arithmetic3A_152 : i32 to vector<16xi32>
      %shift_right_arithmetic3A_154 = arith.shrsi %iota3A, %shift_right_arithmetic3A_153 : vector<16xi32>
      %add3A_155 = vector.broadcast %add3A_151 : i32 to vector<16xi32>
      %add3A_156 = arith.addi %add3A_155, %shift_right_arithmetic3A_154 : vector<16xi32>
      %shift_right_arithmetic3A_157 = arith.constant 7 : i32
      %shift_right_arithmetic3A_158 = vector.broadcast %shift_right_arithmetic3A_157 : i32 to vector<16xi32>
      %shift_right_arithmetic3A_159 = arith.shrsi %add3A_156, %shift_right_arithmetic3A_158 : vector<16xi32>
      %and3A_160 = arith.constant 127 : i32
      %and3A_161 = vector.broadcast %and3A_160 : i32 to vector<16xi32>
      %and3A_162 = arith.andi %add3A_156, %and3A_161 : vector<16xi32>
      %gather3A_163 = tpu.vector_load_idx %arg9[%shift_right_arithmetic3A_159, %and3A_162] : memref<32x128xi32, #tpu.memory_space<vmem>>[vector<16xi32>, vector<16xi32>], vector<16xi32>,
      %mul3A_164 = arith.constant 4 : i32
      %mul3A_165 = vector.broadcast %mul3A_164 : i32 to vector<16xi32>
      %mul3A_166 = arith.muli %gather3A_163, %mul3A_165 : vector<16xi32>
      %and3A_167 = arith.constant 3 : i32
      %and3A_168 = vector.broadcast %and3A_167 : i32 to vector<16xi32>
      %and3A_169 = arith.andi %iota3A, %and3A_168 : vector<16xi32>
      %add3A_170 = arith.addi %mul3A_166, %and3A_169 : vector<16xi32>
      %gather3A_171 = tpu.vector_load_idx %arg8[%add3A_170] : memref<32768xf32, #tpu.memory_space<vmem>>[vector<16xi32>], vector<16xf32>,
      %sub3A_172 = arith.subf %gather3A_171, %gather3A : vector<16xf32>
      %swap3A_173 = arith.index_cast %scan3A_57 : i32 to index
      %swap3A_174 = arith.constant 48 : index
      %swap3A_175 = tpu.vector_load %arg12[%swap3A_173, %swap3A_174] {strides = array<i32>} : memref<128x128xf32, #tpu.memory_space<vmem>>, vector<16xf32>,
      tpu.vector_store %arg12[%swap3A_173, %swap3A_174], %sub3A_172 {strides = array<i32>} : memref<128x128xf32, #tpu.memory_space<vmem>>, vector<16xf32>,
      %mul3A_176 = arith.constant 32 : i32
      %mul3A_177 = arith.muli %scan3A_57, %mul3A_176 : i32
      %add3A_178 = arith.constant 16 : i32
      %add3A_179 = arith.addi %mul3A_177, %add3A_178 : i32
      %shift_right_arithmetic3A_180 = arith.constant 2 : i32
      %shift_right_arithmetic3A_181 = vector.broadcast %shift_right_arithmetic3A_180 : i32 to vector<16xi32>
      %shift_right_arithmetic3A_182 = arith.shrsi %iota3A, %shift_right_arithmetic3A_181 : vector<16xi32>
      %add3A_183 = vector.broadcast %add3A_179 : i32 to vector<16xi32>
      %add3A_184 = arith.addi %add3A_183, %shift_right_arithmetic3A_182 : vector<16xi32>
      %shift_right_arithmetic3A_185 = arith.constant 7 : i32
      %shift_right_arithmetic3A_186 = vector.broadcast %shift_right_arithmetic3A_185 : i32 to vector<16xi32>
      %shift_right_arithmetic3A_187 = arith.shrsi %add3A_184, %shift_right_arithmetic3A_186 : vector<16xi32>
      %and3A_188 = arith.constant 127 : i32
      %and3A_189 = vector.broadcast %and3A_188 : i32 to vector<16xi32>
      %and3A_190 = arith.andi %add3A_184, %and3A_189 : vector<16xi32>
      %gather3A_191 = tpu.vector_load_idx %arg9[%shift_right_arithmetic3A_187, %and3A_190] : memref<32x128xi32, #tpu.memory_space<vmem>>[vector<16xi32>, vector<16xi32>], vector<16xi32>,
      %mul3A_192 = arith.constant 4 : i32
      %mul3A_193 = vector.broadcast %mul3A_192 : i32 to vector<16xi32>
      %mul3A_194 = arith.muli %gather3A_191, %mul3A_193 : vector<16xi32>
      %and3A_195 = arith.constant 3 : i32
      %and3A_196 = vector.broadcast %and3A_195 : i32 to vector<16xi32>
      %and3A_197 = arith.andi %iota3A, %and3A_196 : vector<16xi32>
      %add3A_198 = arith.addi %mul3A_194, %and3A_197 : vector<16xi32>
      %gather3A_199 = tpu.vector_load_idx %arg8[%add3A_198] : memref<32768xf32, #tpu.memory_space<vmem>>[vector<16xi32>], vector<16xf32>,
      %sub3A_200 = arith.subf %gather3A_199, %gather3A : vector<16xf32>
      %swap3A_201 = arith.index_cast %scan3A_57 : i32 to index
      %swap3A_202 = arith.constant 64 : index
      %swap3A_203 = tpu.vector_load %arg12[%swap3A_201, %swap3A_202] {strides = array<i32>} : memref<128x128xf32, #tpu.memory_space<vmem>>, vector<16xf32>,
      tpu.vector_store %arg12[%swap3A_201, %swap3A_202], %sub3A_200 {strides = array<i32>} : memref<128x128xf32, #tpu.memory_space<vmem>>, vector<16xf32>,
      %mul3A_204 = arith.constant 32 : i32
      %mul3A_205 = arith.muli %scan3A_57, %mul3A_204 : i32
      %add3A_206 = arith.constant 20 : i32
      %add3A_207 = arith.addi %mul3A_205, %add3A_206 : i32
      %shift_right_arithmetic3A_208 = arith.constant 2 : i32
      %shift_right_arithmetic3A_209 = vector.broadcast %shift_right_arithmetic3A_208 : i32 to vector<16xi32>
      %shift_right_arithmetic3A_210 = arith.shrsi %iota3A, %shift_right_arithmetic3A_209 : vector<16xi32>
      %add3A_211 = vector.broadcast %add3A_207 : i32 to vector<16xi32>
      %add3A_212 = arith.addi %add3A_211, %shift_right_arithmetic3A_210 : vector<16xi32>
      %shift_right_arithmetic3A_213 = arith.constant 7 : i32
      %shift_right_arithmetic3A_214 = vector.broadcast %shift_right_arithmetic3A_213 : i32 to vector<16xi32>
      %shift_right_arithmetic3A_215 = arith.shrsi %add3A_212, %shift_right_arithmetic3A_214 : vector<16xi32>
      %and3A_216 = arith.constant 127 : i32
      %and3A_217 = vector.broadcast %and3A_216 : i32 to vector<16xi32>
      %and3A_218 = arith.andi %add3A_212, %and3A_217 : vector<16xi32>
      %gather3A_219 = tpu.vector_load_idx %arg9[%shift_right_arithmetic3A_215, %and3A_218] : memref<32x128xi32, #tpu.memory_space<vmem>>[vector<16xi32>, vector<16xi32>], vector<16xi32>,
      %mul3A_220 = arith.constant 4 : i32
      %mul3A_221 = vector.broadcast %mul3A_220 : i32 to vector<16xi32>
      %mul3A_222 = arith.muli %gather3A_219, %mul3A_221 : vector<16xi32>
      %and3A_223 = arith.constant 3 : i32
      %and3A_224 = vector.broadcast %and3A_223 : i32 to vector<16xi32>
      %and3A_225 = arith.andi %iota3A, %and3A_224 : vector<16xi32>
      %add3A_226 = arith.addi %mul3A_222, %and3A_225 : vector<16xi32>
      %gather3A_227 = tpu.vector_load_idx %arg8[%add3A_226] : memref<32768xf32, #tpu.memory_space<vmem>>[vector<16xi32>], vector<16xf32>,
      %sub3A_228 = arith.subf %gather3A_227, %gather3A : vector<16xf32>
      %swap3A_229 = arith.index_cast %scan3A_57 : i32 to index
      %swap3A_230 = arith.constant 80 : index
      %swap3A_231 = tpu.vector_load %arg12[%swap3A_229, %swap3A_230] {strides = array<i32>} : memref<128x128xf32, #tpu.memory_space<vmem>>, vector<16xf32>,
      tpu.vector_store %arg12[%swap3A_229, %swap3A_230], %sub3A_228 {strides = array<i32>} : memref<128x128xf32, #tpu.memory_space<vmem>>, vector<16xf32>,
      %mul3A_232 = arith.constant 32 : i32
      %mul3A_233 = arith.muli %scan3A_57, %mul3A_232 : i32
      %add3A_234 = arith.constant 24 : i32
      %add3A_235 = arith.addi %mul3A_233, %add3A_234 : i32
      %shift_right_arithmetic3A_236 = arith.constant 2 : i32
      %shift_right_arithmetic3A_237 = vector.broadcast %shift_right_arithmetic3A_236 : i32 to vector<16xi32>
      %shift_right_arithmetic3A_238 = arith.shrsi %iota3A, %shift_right_arithmetic3A_237 : vector<16xi32>
      %add3A_239 = vector.broadcast %add3A_235 : i32 to vector<16xi32>
      %add3A_240 = arith.addi %add3A_239, %shift_right_arithmetic3A_238 : vector<16xi32>
      %shift_right_arithmetic3A_241 = arith.constant 7 : i32
      %shift_right_arithmetic3A_242 = vector.broadcast %shift_right_arithmetic3A_241 : i32 to vector<16xi32>
      %shift_right_arithmetic3A_243 = arith.shrsi %add3A_240, %shift_right_arithmetic3A_242 : vector<16xi32>
      %and3A_244 = arith.constant 127 : i32
      %and3A_245 = vector.broadcast %and3A_244 : i32 to vector<16xi32>
      %and3A_246 = arith.andi %add3A_240, %and3A_245 : vector<16xi32>
      %gather3A_247 = tpu.vector_load_idx %arg9[%shift_right_arithmetic3A_243, %and3A_246] : memref<32x128xi32, #tpu.memory_space<vmem>>[vector<16xi32>, vector<16xi32>], vector<16xi32>,
      %mul3A_248 = arith.constant 4 : i32
      %mul3A_249 = vector.broadcast %mul3A_248 : i32 to vector<16xi32>
      %mul3A_250 = arith.muli %gather3A_247, %mul3A_249 : vector<16xi32>
      %and3A_251 = arith.constant 3 : i32
      %and3A_252 = vector.broadcast %and3A_251 : i32 to vector<16xi32>
      %and3A_253 = arith.andi %iota3A, %and3A_252 : vector<16xi32>
      %add3A_254 = arith.addi %mul3A_250, %and3A_253 : vector<16xi32>
      %gather3A_255 = tpu.vector_load_idx %arg8[%add3A_254] : memref<32768xf32, #tpu.memory_space<vmem>>[vector<16xi32>], vector<16xf32>,
      %sub3A_256 = arith.subf %gather3A_255, %gather3A : vector<16xf32>
      %swap3A_257 = arith.index_cast %scan3A_57 : i32 to index
      %swap3A_258 = arith.constant 96 : index
      %swap3A_259 = tpu.vector_load %arg12[%swap3A_257, %swap3A_258] {strides = array<i32>} : memref<128x128xf32, #tpu.memory_space<vmem>>, vector<16xf32>,
      tpu.vector_store %arg12[%swap3A_257, %swap3A_258], %sub3A_256 {strides = array<i32>} : memref<128x128xf32, #tpu.memory_space<vmem>>, vector<16xf32>,
      %mul3A_260 = arith.constant 32 : i32
      %mul3A_261 = arith.muli %scan3A_57, %mul3A_260 : i32
      %add3A_262 = arith.constant 28 : i32
      %add3A_263 = arith.addi %mul3A_261, %add3A_262 : i32
      %shift_right_arithmetic3A_264 = arith.constant 2 : i32
      %shift_right_arithmetic3A_265 = vector.broadcast %shift_right_arithmetic3A_264 : i32 to vector<16xi32>
      %shift_right_arithmetic3A_266 = arith.shrsi %iota3A, %shift_right_arithmetic3A_265 : vector<16xi32>
      %add3A_267 = vector.broadcast %add3A_263 : i32 to vector<16xi32>
      %add3A_268 = arith.addi %add3A_267, %shift_right_arithmetic3A_266 : vector<16xi32>
      %shift_right_arithmetic3A_269 = arith.constant 7 : i32
      %shift_right_arithmetic3A_270 = vector.broadcast %shift_right_arithmetic3A_269 : i32 to vector<16xi32>
      %shift_right_arithmetic3A_271 = arith.shrsi %add3A_268, %shift_right_arithmetic3A_270 : vector<16xi32>
      %and3A_272 = arith.constant 127 : i32
      %and3A_273 = vector.broadcast %and3A_272 : i32 to vector<16xi32>
      %and3A_274 = arith.andi %add3A_268, %and3A_273 : vector<16xi32>
      %gather3A_275 = tpu.vector_load_idx %arg9[%shift_right_arithmetic3A_271, %and3A_274] : memref<32x128xi32, #tpu.memory_space<vmem>>[vector<16xi32>, vector<16xi32>], vector<16xi32>,
      %mul3A_276 = arith.constant 4 : i32
      %mul3A_277 = vector.broadcast %mul3A_276 : i32 to vector<16xi32>
      %mul3A_278 = arith.muli %gather3A_275, %mul3A_277 : vector<16xi32>
      %and3A_279 = arith.constant 3 : i32
      %and3A_280 = vector.broadcast %and3A_279 : i32 to vector<16xi32>
      %and3A_281 = arith.andi %iota3A, %and3A_280 : vector<16xi32>
      %add3A_282 = arith.addi %mul3A_278, %and3A_281 : vector<16xi32>
      %gather3A_283 = tpu.vector_load_idx %arg8[%add3A_282] : memref<32768xf32, #tpu.memory_space<vmem>>[vector<16xi32>], vector<16xf32>,
      %sub3A_284 = arith.subf %gather3A_283, %gather3A : vector<16xf32>
      %swap3A_285 = arith.index_cast %scan3A_57 : i32 to index
      %swap3A_286 = arith.constant 112 : index
      %swap3A_287 = tpu.vector_load %arg12[%swap3A_285, %swap3A_286] {strides = array<i32>} : memref<128x128xf32, #tpu.memory_space<vmem>>, vector<16xf32>,
      tpu.vector_store %arg12[%swap3A_285, %swap3A_286], %sub3A_284 {strides = array<i32>} : memref<128x128xf32, #tpu.memory_space<vmem>>, vector<16xf32>,
      %scan3A_288 = arith.constant 0 : i32
      scf.yield %scan3A_288 : i32
    }
    %scan3A_49 = arith.constant 128 : i32
    "tpu.region"() ({
      %run_scoped3A = tpu.sem_alloc : memref<!tpu.dma_semaphore, #tpu.memory_space<semaphore_mem>>
      %dma_start3A = arith.constant 0 : i32
      %dma_start3A_57 = tpu.memref_slice %arg6[%select_n3A, %mul3A_32, %dma_start3A] : memref<8x512x128xf32, #tpu.memory_space<hbm>> -> memref<1x128x128xf32, #tpu.memory_space<hbm>>
      %dma_start3A_58 = tpu.memref_squeeze %dma_start3A_57 : memref<1x128x128xf32, #tpu.memory_space<hbm>> -> memref<128x128xf32, #tpu.memory_space<hbm>>
      %dma_start3A_59 = arith.constant 0 : i32
      %dma_start3A_60 = tpu.memref_slice %arg6[%select_n3A, %mul3A_32, %dma_start3A_59] : memref<8x512x128xf32, #tpu.memory_space<hbm>> -> memref<1x128x128xf32, #tpu.memory_space<hbm>>
      %dma_start3A_61 = tpu.memref_squeeze %dma_start3A_60 : memref<1x128x128xf32, #tpu.memory_space<hbm>> -> memref<128x128xf32, #tpu.memory_space<hbm>>
      tpu.enqueue_dma source(%arg12 : memref<128x128xf32, #tpu.memory_space<vmem>>) target(%dma_start3A_61 : memref<128x128xf32, #tpu.memory_space<hbm>>) target_semaphore(%run_scoped3A : memref<!tpu.dma_semaphore, #tpu.memory_space<semaphore_mem>>)
      %dma_wait3A = arith.constant 0 : i32
      %dma_wait3A_62 = tpu.memref_slice %arg6[%select_n3A, %mul3A_32, %dma_wait3A] : memref<8x512x128xf32, #tpu.memory_space<hbm>> -> memref<1x128x128xf32, #tpu.memory_space<hbm>>
      %dma_wait3A_63 = tpu.memref_squeeze %dma_wait3A_62 : memref<1x128x128xf32, #tpu.memory_space<hbm>> -> memref<128x128xf32, #tpu.memory_space<hbm>>
      %dma_wait3A_64 = arith.constant 0 : i32
      %dma_wait3A_65 = tpu.memref_slice %arg6[%select_n3A, %mul3A_32, %dma_wait3A_64] : memref<8x512x128xf32, #tpu.memory_space<hbm>> -> memref<1x128x128xf32, #tpu.memory_space<hbm>>
      %dma_wait3A_66 = tpu.memref_squeeze %dma_wait3A_65 : memref<1x128x128xf32, #tpu.memory_space<hbm>> -> memref<128x128xf32, #tpu.memory_space<hbm>>
      tpu.wait_dma2 semaphore(%run_scoped3A : memref<!tpu.dma_semaphore, #tpu.memory_space<semaphore_mem>>) src(%arg12 : memref<128x128xf32, #tpu.memory_space<vmem>>) dst(%dma_wait3A_66 : memref<128x128xf32, #tpu.memory_space<hbm>>)
      tpu.yield
    }) : () -> ()
    %scan3A_50 = arith.constant 0 : i32
    %scan3A_51 = arith.constant 0 : i32
    %scan3A_52 = arith.constant 32 : i32
    %scan3A_53 = arith.addi %scan3A_51, %scan3A_52 : i32
    %scan3A_54 = arith.constant 1 : i32
    %scan3A_55 = scf.for %scan3A_57 = %scan3A_51 to %scan3A_53 step %scan3A_54 iter_args(%scan3A_58 = %scan3A_50) -> (i32)  : i32 {
      %dma_start3A = arith.constant 0 : i32
      %dma_start3A_59 = tpu.memref_slice %arg10[%scan3A_57, %dma_start3A] : memref<32x128xi32, #tpu.memory_space<vmem>> -> memref<1x128xi32, #tpu.memory_space<vmem>>
      %dma_start3A_60 = tpu.memref_squeeze %dma_start3A_59 : memref<1x128xi32, #tpu.memory_space<vmem>> -> memref<128xi32, #tpu.memory_space<vmem>>
      %dma_start3A_61 = arith.constant 0 : i32
      %dma_start3A_62 = arith.constant 0 : i32
      %dma_start3A_63 = tpu.memref_slice %arg3[%dma_start3A_61, %dma_start3A_62] : memref<65536x64xf32, #tpu.memory_space<hbm>> -> memref<65536x64xf32, #tpu.memory_space<hbm>>
      tpu.enqueue_indirect_dma source(%dma_start3A_63 : memref<65536x64xf32, #tpu.memory_space<hbm>>) target(%arg13 : memref<128x64xf32, #tpu.memory_space<vmem>>) offsets(%dma_start3A_60 : memref<128xi32, #tpu.memory_space<vmem>>) semaphore(%arg14 : memref<!tpu.dma_semaphore, #tpu.memory_space<semaphore_mem>>)
      %dma_wait3A = arith.constant 0 : i32
      %dma_wait3A_64 = tpu.memref_slice %arg10[%scan3A_57, %dma_wait3A] : memref<32x128xi32, #tpu.memory_space<vmem>> -> memref<1x128xi32, #tpu.memory_space<vmem>>
      %dma_wait3A_65 = tpu.memref_squeeze %dma_wait3A_64 : memref<1x128xi32, #tpu.memory_space<vmem>> -> memref<128xi32, #tpu.memory_space<vmem>>
      %dma_wait3A_66 = arith.constant 0 : i32
      %dma_wait3A_67 = arith.constant 0 : i32
      %dma_wait3A_68 = tpu.memref_slice %arg3[%dma_wait3A_66, %dma_wait3A_67] : memref<65536x64xf32, #tpu.memory_space<hbm>> -> memref<65536x64xf32, #tpu.memory_space<hbm>>
      tpu.wait_indirect_dma semaphore(%arg14 : memref<!tpu.dma_semaphore, #tpu.memory_space<semaphore_mem>>) src(%dma_wait3A_68 : memref<65536x64xf32, #tpu.memory_space<hbm>>) dst(%arg13 : memref<128x64xf32, #tpu.memory_space<vmem>>)
      %mul3A_69 = arith.constant 128 : i32
      %mul3A_70 = arith.muli %add3A, %mul3A_69 : i32
      %mul3A_71 = arith.constant 32 : i32
      %mul3A_72 = arith.muli %mul3A_70, %mul3A_71 : i32
      %mul3A_73 = arith.constant 128 : i32
      %mul3A_74 = arith.muli %scan3A_57, %mul3A_73 : i32
      %add3A_75 = arith.addi %mul3A_72, %mul3A_74 : i32
      "tpu.region"() ({
        %run_scoped3A = tpu.sem_alloc : memref<!tpu.dma_semaphore, #tpu.memory_space<semaphore_mem>>
        %dma_start3A_77 = arith.constant 0 : i32
        %dma_start3A_78 = tpu.memref_slice %arg7[%add3A_75, %dma_start3A_77] : memref<131072x64xf32, #tpu.memory_space<hbm>> -> memref<128x64xf32, #tpu.memory_space<hbm>>
        %dma_start3A_79 = arith.constant 0 : i32
        %dma_start3A_80 = tpu.memref_slice %arg7[%add3A_75, %dma_start3A_79] : memref<131072x64xf32, #tpu.memory_space<hbm>> -> memref<128x64xf32, #tpu.memory_space<hbm>>
        tpu.enqueue_dma source(%arg13 : memref<128x64xf32, #tpu.memory_space<vmem>>) target(%dma_start3A_80 : memref<128x64xf32, #tpu.memory_space<hbm>>) target_semaphore(%run_scoped3A : memref<!tpu.dma_semaphore, #tpu.memory_space<semaphore_mem>>)
        %dma_wait3A_81 = arith.constant 0 : i32
        %dma_wait3A_82 = tpu.memref_slice %arg7[%add3A_75, %dma_wait3A_81] : memref<131072x64xf32, #tpu.memory_space<hbm>> -> memref<128x64xf32, #tpu.memory_space<hbm>>
        %dma_wait3A_83 = arith.constant 0 : i32
        %dma_wait3A_84 = tpu.memref_slice %arg7[%add3A_75, %dma_wait3A_83] : memref<131072x64xf32, #tpu.memory_space<hbm>> -> memref<128x64xf32, #tpu.memory_space<hbm>>
        tpu.wait_dma2 semaphore(%run_scoped3A : memref<!tpu.dma_semaphore, #tpu.memory_space<semaphore_mem>>) src(%arg13 : memref<128x64xf32, #tpu.memory_space<vmem>>) dst(%dma_wait3A_84 : memref<128x64xf32, #tpu.memory_space<hbm>>)
        tpu.yield
      }) : () -> ()
      %scan3A_76 = arith.constant 0 : i32
      scf.yield %scan3A_76 : i32
    }
    %scan3A_56 = arith.constant 32 : i32
    return
  }
}

#map = affine_map<(d0, d1) -> (0, 0)>
module attributes {stable_mosaic.version = 14 : i64} {
  func.func @k(%arg0: i32, %arg1: i32, %arg2: memref<8x32768xf32, #tpu.memory_space<hbm>>, %arg3: memref<8x512xi32, #tpu.memory_space<hbm>>, %arg4: memref<8x2048xf32, #tpu.memory_space<hbm>>, %arg5: memref<32768xf32, #tpu.memory_space<vmem>>, %arg6: memref<128xi32, #tpu.memory_space<vmem>>, %arg7: memref<512xf32, #tpu.memory_space<vmem>>) attributes {dimension_semantics = [#tpu.dimension_semantics<core_parallel>, #tpu.dimension_semantics<subcore_parallel>], iteration_bounds = array<i64: 2, 16>, scalar_prefetch = 0 : i64, scratch_operands = 3 : i64, tpu.core_type = #tpu.core_type<sc_vector_subcore>, window_params = [{transform_indices = #map}, {transform_indices = #map}, {transform_indices = #map}]} {
    %mul3A = arith.constant 2 : i32
    %mul3A_0 = arith.muli %arg1, %mul3A : i32
    %add3A = arith.addi %mul3A_0, %arg0 : i32
    %jit3A = arith.constant 4 : i32
    %div3A = arith.divsi %add3A, %jit3A : i32
    %sign3A = arith.constant 0 : i32
    %sign3A_1 = arith.cmpi sgt, %add3A, %sign3A : i32
    %sign3A_2 = arith.extui %sign3A_1 : i1 to i32
    %sign3A_3 = arith.constant 0 : i32
    %sign3A_4 = arith.cmpi slt, %add3A, %sign3A_3 : i32
    %sign3A_5 = arith.extui %sign3A_4 : i1 to i32
    %sign3A_6 = arith.subi %sign3A_2, %sign3A_5 : i32
    %sign3A_7 = arith.constant 0 : i32
    %sign3A_8 = arith.cmpi sgt, %jit3A, %sign3A_7 : i32
    %sign3A_9 = arith.extui %sign3A_8 : i1 to i32
    %sign3A_10 = arith.constant 0 : i32
    %sign3A_11 = arith.cmpi slt, %jit3A, %sign3A_10 : i32
    %sign3A_12 = arith.extui %sign3A_11 : i1 to i32
    %sign3A_13 = arith.subi %sign3A_9, %sign3A_12 : i32
    %ne3A = arith.cmpi ne, %sign3A_6, %sign3A_13 : i32
    %rem3A = arith.remsi %add3A, %jit3A : i32
    %ne3A_14 = arith.constant 0 : i32
    %ne3A_15 = arith.cmpi ne, %rem3A, %ne3A_14 : i32
    %and3A = arith.andi %ne3A, %ne3A_15 : i1
    %sub3A = arith.constant 1 : i32
    %sub3A_16 = arith.subi %div3A, %sub3A : i32
    %select_n3A = arith.select %and3A, %sub3A_16, %div3A : i32
    %jit3A_17 = arith.constant 4 : i32
    %eq3A = arith.constant 0 : i32
    %eq3A_18 = arith.cmpi eq, %jit3A_17, %eq3A : i32
    %jit3A_19 = arith.constant 1 : i32
    %select_n3A_20 = arith.select %eq3A_18, %jit3A_19, %jit3A_17 : i32
    %rem3A_21 = arith.remsi %add3A, %select_n3A_20 : i32
    %ne3A_22 = arith.constant 0 : i32
    %ne3A_23 = arith.cmpi ne, %rem3A_21, %ne3A_22 : i32
    %lt3A = arith.constant 0 : i32
    %lt3A_24 = arith.cmpi slt, %rem3A_21, %lt3A : i32
    %lt3A_25 = arith.constant 0 : i32
    %lt3A_26 = arith.cmpi slt, %select_n3A_20, %lt3A_25 : i32
    %ne3A_27 = arith.xori %lt3A_24, %lt3A_26 : i1
    %and3A_28 = arith.andi %ne3A_27, %ne3A_23 : i1
    %add3A_29 = arith.addi %rem3A_21, %select_n3A_20 : i32
    %select_n3A_30 = arith.select %and3A_28, %add3A_29, %rem3A_21 : i32
    %mul3A_31 = arith.constant 128 : i32
    %mul3A_32 = arith.muli %select_n3A_30, %mul3A_31 : i32
    "tpu.region"() ({
      %run_scoped3A = tpu.sem_alloc : memref<!tpu.dma_semaphore, #tpu.memory_space<semaphore_mem>>
      %dma_start3A = arith.constant 0 : i32
      %dma_start3A_576 = tpu.memref_slice %arg2[%select_n3A, %dma_start3A] : memref<8x32768xf32, #tpu.memory_space<hbm>> -> memref<1x32768xf32, #tpu.memory_space<hbm>>
      %dma_start3A_577 = tpu.memref_squeeze %dma_start3A_576 : memref<1x32768xf32, #tpu.memory_space<hbm>> -> memref<32768xf32, #tpu.memory_space<hbm>>
      %dma_start3A_578 = arith.constant 0 : i32
      %dma_start3A_579 = tpu.memref_slice %arg2[%select_n3A, %dma_start3A_578] : memref<8x32768xf32, #tpu.memory_space<hbm>> -> memref<1x32768xf32, #tpu.memory_space<hbm>>
      %dma_start3A_580 = tpu.memref_squeeze %dma_start3A_579 : memref<1x32768xf32, #tpu.memory_space<hbm>> -> memref<32768xf32, #tpu.memory_space<hbm>>
      tpu.enqueue_dma source(%dma_start3A_580 : memref<32768xf32, #tpu.memory_space<hbm>>) target(%arg5 : memref<32768xf32, #tpu.memory_space<vmem>>) target_semaphore(%run_scoped3A : memref<!tpu.dma_semaphore, #tpu.memory_space<semaphore_mem>>)
      %dma_wait3A = arith.constant 0 : i32
      %dma_wait3A_581 = tpu.memref_slice %arg2[%select_n3A, %dma_wait3A] : memref<8x32768xf32, #tpu.memory_space<hbm>> -> memref<1x32768xf32, #tpu.memory_space<hbm>>
      %dma_wait3A_582 = tpu.memref_squeeze %dma_wait3A_581 : memref<1x32768xf32, #tpu.memory_space<hbm>> -> memref<32768xf32, #tpu.memory_space<hbm>>
      %dma_wait3A_583 = arith.constant 0 : i32
      %dma_wait3A_584 = tpu.memref_slice %arg2[%select_n3A, %dma_wait3A_583] : memref<8x32768xf32, #tpu.memory_space<hbm>> -> memref<1x32768xf32, #tpu.memory_space<hbm>>
      %dma_wait3A_585 = tpu.memref_squeeze %dma_wait3A_584 : memref<1x32768xf32, #tpu.memory_space<hbm>> -> memref<32768xf32, #tpu.memory_space<hbm>>
      tpu.wait_dma2 semaphore(%run_scoped3A : memref<!tpu.dma_semaphore, #tpu.memory_space<semaphore_mem>>) src(%dma_wait3A_585 : memref<32768xf32, #tpu.memory_space<hbm>>) dst(%arg5 : memref<32768xf32, #tpu.memory_space<vmem>>)
      tpu.yield
    }) : () -> ()
    "tpu.region"() ({
      %run_scoped3A = tpu.sem_alloc : memref<!tpu.dma_semaphore, #tpu.memory_space<semaphore_mem>>
      %dma_start3A = tpu.memref_slice %arg3[%select_n3A, %mul3A_32] : memref<8x512xi32, #tpu.memory_space<hbm>> -> memref<1x128xi32, #tpu.memory_space<hbm>>
      %dma_start3A_576 = tpu.memref_squeeze %dma_start3A : memref<1x128xi32, #tpu.memory_space<hbm>> -> memref<128xi32, #tpu.memory_space<hbm>>
      %dma_start3A_577 = tpu.memref_slice %arg3[%select_n3A, %mul3A_32] : memref<8x512xi32, #tpu.memory_space<hbm>> -> memref<1x128xi32, #tpu.memory_space<hbm>>
      %dma_start3A_578 = tpu.memref_squeeze %dma_start3A_577 : memref<1x128xi32, #tpu.memory_space<hbm>> -> memref<128xi32, #tpu.memory_space<hbm>>
      tpu.enqueue_dma source(%dma_start3A_578 : memref<128xi32, #tpu.memory_space<hbm>>) target(%arg6 : memref<128xi32, #tpu.memory_space<vmem>>) target_semaphore(%run_scoped3A : memref<!tpu.dma_semaphore, #tpu.memory_space<semaphore_mem>>)
      %dma_wait3A = tpu.memref_slice %arg3[%select_n3A, %mul3A_32] : memref<8x512xi32, #tpu.memory_space<hbm>> -> memref<1x128xi32, #tpu.memory_space<hbm>>
      %dma_wait3A_579 = tpu.memref_squeeze %dma_wait3A : memref<1x128xi32, #tpu.memory_space<hbm>> -> memref<128xi32, #tpu.memory_space<hbm>>
      %dma_wait3A_580 = tpu.memref_slice %arg3[%select_n3A, %mul3A_32] : memref<8x512xi32, #tpu.memory_space<hbm>> -> memref<1x128xi32, #tpu.memory_space<hbm>>
      %dma_wait3A_581 = tpu.memref_squeeze %dma_wait3A_580 : memref<1x128xi32, #tpu.memory_space<hbm>> -> memref<128xi32, #tpu.memory_space<hbm>>
      tpu.wait_dma2 semaphore(%run_scoped3A : memref<!tpu.dma_semaphore, #tpu.memory_space<semaphore_mem>>) src(%dma_wait3A_581 : memref<128xi32, #tpu.memory_space<hbm>>) dst(%arg6 : memref<128xi32, #tpu.memory_space<vmem>>)
      tpu.yield
    }) : () -> ()
    %iota3A = tpu.iota {dimensions = array<i32: 0>} : vector<16xi32>
    %shift_right_arithmetic3A = arith.constant 2 : i32
    %shift_right_arithmetic3A_33 = vector.broadcast %shift_right_arithmetic3A : i32 to vector<16xi32>
    %shift_right_arithmetic3A_34 = arith.shrsi %iota3A, %shift_right_arithmetic3A_33 : vector<16xi32>
    %add3A_35 = arith.constant 0 : i32
    %add3A_36 = vector.broadcast %add3A_35 : i32 to vector<16xi32>
    %add3A_37 = arith.addi %add3A_36, %shift_right_arithmetic3A_34 : vector<16xi32>
    %gather3A = tpu.vector_load_idx %arg6[%add3A_37] : memref<128xi32, #tpu.memory_space<vmem>>[vector<16xi32>], vector<16xi32>,
    %mul3A_38 = arith.constant 4 : i32
    %mul3A_39 = vector.broadcast %mul3A_38 : i32 to vector<16xi32>
    %mul3A_40 = arith.muli %gather3A, %mul3A_39 : vector<16xi32>
    %and3A_41 = arith.constant 3 : i32
    %and3A_42 = vector.broadcast %and3A_41 : i32 to vector<16xi32>
    %and3A_43 = arith.andi %iota3A, %and3A_42 : vector<16xi32>
    %add3A_44 = arith.addi %mul3A_40, %and3A_43 : vector<16xi32>
    %gather3A_45 = tpu.vector_load_idx %arg5[%add3A_44] : memref<32768xf32, #tpu.memory_space<vmem>>[vector<16xi32>], vector<16xf32>,
    %swap3A = arith.constant 0 : index
    %swap3A_46 = tpu.vector_load %arg7[%swap3A] {strides = array<i32>} : memref<512xf32, #tpu.memory_space<vmem>>, vector<16xf32>,
    tpu.vector_store %arg7[%swap3A], %gather3A_45 {strides = array<i32>} : memref<512xf32, #tpu.memory_space<vmem>>, vector<16xf32>,
    %shift_right_arithmetic3A_47 = arith.constant 2 : i32
    %shift_right_arithmetic3A_48 = vector.broadcast %shift_right_arithmetic3A_47 : i32 to vector<16xi32>
    %shift_right_arithmetic3A_49 = arith.shrsi %iota3A, %shift_right_arithmetic3A_48 : vector<16xi32>
    %add3A_50 = arith.constant 4 : i32
    %add3A_51 = vector.broadcast %add3A_50 : i32 to vector<16xi32>
    %add3A_52 = arith.addi %add3A_51, %shift_right_arithmetic3A_49 : vector<16xi32>
    %gather3A_53 = tpu.vector_load_idx %arg6[%add3A_52] : memref<128xi32, #tpu.memory_space<vmem>>[vector<16xi32>], vector<16xi32>,
    %mul3A_54 = arith.constant 4 : i32
    %mul3A_55 = vector.broadcast %mul3A_54 : i32 to vector<16xi32>
    %mul3A_56 = arith.muli %gather3A_53, %mul3A_55 : vector<16xi32>
    %and3A_57 = arith.constant 3 : i32
    %and3A_58 = vector.broadcast %and3A_57 : i32 to vector<16xi32>
    %and3A_59 = arith.andi %iota3A, %and3A_58 : vector<16xi32>
    %add3A_60 = arith.addi %mul3A_56, %and3A_59 : vector<16xi32>
    %gather3A_61 = tpu.vector_load_idx %arg5[%add3A_60] : memref<32768xf32, #tpu.memory_space<vmem>>[vector<16xi32>], vector<16xf32>,
    %swap3A_62 = arith.constant 16 : index
    %swap3A_63 = tpu.vector_load %arg7[%swap3A_62] {strides = array<i32>} : memref<512xf32, #tpu.memory_space<vmem>>, vector<16xf32>,
    tpu.vector_store %arg7[%swap3A_62], %gather3A_61 {strides = array<i32>} : memref<512xf32, #tpu.memory_space<vmem>>, vector<16xf32>,
    %shift_right_arithmetic3A_64 = arith.constant 2 : i32
    %shift_right_arithmetic3A_65 = vector.broadcast %shift_right_arithmetic3A_64 : i32 to vector<16xi32>
    %shift_right_arithmetic3A_66 = arith.shrsi %iota3A, %shift_right_arithmetic3A_65 : vector<16xi32>
    %add3A_67 = arith.constant 8 : i32
    %add3A_68 = vector.broadcast %add3A_67 : i32 to vector<16xi32>
    %add3A_69 = arith.addi %add3A_68, %shift_right_arithmetic3A_66 : vector<16xi32>
    %gather3A_70 = tpu.vector_load_idx %arg6[%add3A_69] : memref<128xi32, #tpu.memory_space<vmem>>[vector<16xi32>], vector<16xi32>,
    %mul3A_71 = arith.constant 4 : i32
    %mul3A_72 = vector.broadcast %mul3A_71 : i32 to vector<16xi32>
    %mul3A_73 = arith.muli %gather3A_70, %mul3A_72 : vector<16xi32>
    %and3A_74 = arith.constant 3 : i32
    %and3A_75 = vector.broadcast %and3A_74 : i32 to vector<16xi32>
    %and3A_76 = arith.andi %iota3A, %and3A_75 : vector<16xi32>
    %add3A_77 = arith.addi %mul3A_73, %and3A_76 : vector<16xi32>
    %gather3A_78 = tpu.vector_load_idx %arg5[%add3A_77] : memref<32768xf32, #tpu.memory_space<vmem>>[vector<16xi32>], vector<16xf32>,
    %swap3A_79 = arith.constant 32 : index
    %swap3A_80 = tpu.vector_load %arg7[%swap3A_79] {strides = array<i32>} : memref<512xf32, #tpu.memory_space<vmem>>, vector<16xf32>,
    tpu.vector_store %arg7[%swap3A_79], %gather3A_78 {strides = array<i32>} : memref<512xf32, #tpu.memory_space<vmem>>, vector<16xf32>,
    %shift_right_arithmetic3A_81 = arith.constant 2 : i32
    %shift_right_arithmetic3A_82 = vector.broadcast %shift_right_arithmetic3A_81 : i32 to vector<16xi32>
    %shift_right_arithmetic3A_83 = arith.shrsi %iota3A, %shift_right_arithmetic3A_82 : vector<16xi32>
    %add3A_84 = arith.constant 12 : i32
    %add3A_85 = vector.broadcast %add3A_84 : i32 to vector<16xi32>
    %add3A_86 = arith.addi %add3A_85, %shift_right_arithmetic3A_83 : vector<16xi32>
    %gather3A_87 = tpu.vector_load_idx %arg6[%add3A_86] : memref<128xi32, #tpu.memory_space<vmem>>[vector<16xi32>], vector<16xi32>,
    %mul3A_88 = arith.constant 4 : i32
    %mul3A_89 = vector.broadcast %mul3A_88 : i32 to vector<16xi32>
    %mul3A_90 = arith.muli %gather3A_87, %mul3A_89 : vector<16xi32>
    %and3A_91 = arith.constant 3 : i32
    %and3A_92 = vector.broadcast %and3A_91 : i32 to vector<16xi32>
    %and3A_93 = arith.andi %iota3A, %and3A_92 : vector<16xi32>
    %add3A_94 = arith.addi %mul3A_90, %and3A_93 : vector<16xi32>
    %gather3A_95 = tpu.vector_load_idx %arg5[%add3A_94] : memref<32768xf32, #tpu.memory_space<vmem>>[vector<16xi32>], vector<16xf32>,
    %swap3A_96 = arith.constant 48 : index
    %swap3A_97 = tpu.vector_load %arg7[%swap3A_96] {strides = array<i32>} : memref<512xf32, #tpu.memory_space<vmem>>, vector<16xf32>,
    tpu.vector_store %arg7[%swap3A_96], %gather3A_95 {strides = array<i32>} : memref<512xf32, #tpu.memory_space<vmem>>, vector<16xf32>,
    %shift_right_arithmetic3A_98 = arith.constant 2 : i32
    %shift_right_arithmetic3A_99 = vector.broadcast %shift_right_arithmetic3A_98 : i32 to vector<16xi32>
    %shift_right_arithmetic3A_100 = arith.shrsi %iota3A, %shift_right_arithmetic3A_99 : vector<16xi32>
    %add3A_101 = arith.constant 16 : i32
    %add3A_102 = vector.broadcast %add3A_101 : i32 to vector<16xi32>
    %add3A_103 = arith.addi %add3A_102, %shift_right_arithmetic3A_100 : vector<16xi32>
    %gather3A_104 = tpu.vector_load_idx %arg6[%add3A_103] : memref<128xi32, #tpu.memory_space<vmem>>[vector<16xi32>], vector<16xi32>,
    %mul3A_105 = arith.constant 4 : i32
    %mul3A_106 = vector.broadcast %mul3A_105 : i32 to vector<16xi32>
    %mul3A_107 = arith.muli %gather3A_104, %mul3A_106 : vector<16xi32>
    %and3A_108 = arith.constant 3 : i32
    %and3A_109 = vector.broadcast %and3A_108 : i32 to vector<16xi32>
    %and3A_110 = arith.andi %iota3A, %and3A_109 : vector<16xi32>
    %add3A_111 = arith.addi %mul3A_107, %and3A_110 : vector<16xi32>
    %gather3A_112 = tpu.vector_load_idx %arg5[%add3A_111] : memref<32768xf32, #tpu.memory_space<vmem>>[vector<16xi32>], vector<16xf32>,
    %swap3A_113 = arith.constant 64 : index
    %swap3A_114 = tpu.vector_load %arg7[%swap3A_113] {strides = array<i32>} : memref<512xf32, #tpu.memory_space<vmem>>, vector<16xf32>,
    tpu.vector_store %arg7[%swap3A_113], %gather3A_112 {strides = array<i32>} : memref<512xf32, #tpu.memory_space<vmem>>, vector<16xf32>,
    %shift_right_arithmetic3A_115 = arith.constant 2 : i32
    %shift_right_arithmetic3A_116 = vector.broadcast %shift_right_arithmetic3A_115 : i32 to vector<16xi32>
    %shift_right_arithmetic3A_117 = arith.shrsi %iota3A, %shift_right_arithmetic3A_116 : vector<16xi32>
    %add3A_118 = arith.constant 20 : i32
    %add3A_119 = vector.broadcast %add3A_118 : i32 to vector<16xi32>
    %add3A_120 = arith.addi %add3A_119, %shift_right_arithmetic3A_117 : vector<16xi32>
    %gather3A_121 = tpu.vector_load_idx %arg6[%add3A_120] : memref<128xi32, #tpu.memory_space<vmem>>[vector<16xi32>], vector<16xi32>,
    %mul3A_122 = arith.constant 4 : i32
    %mul3A_123 = vector.broadcast %mul3A_122 : i32 to vector<16xi32>
    %mul3A_124 = arith.muli %gather3A_121, %mul3A_123 : vector<16xi32>
    %and3A_125 = arith.constant 3 : i32
    %and3A_126 = vector.broadcast %and3A_125 : i32 to vector<16xi32>
    %and3A_127 = arith.andi %iota3A, %and3A_126 : vector<16xi32>
    %add3A_128 = arith.addi %mul3A_124, %and3A_127 : vector<16xi32>
    %gather3A_129 = tpu.vector_load_idx %arg5[%add3A_128] : memref<32768xf32, #tpu.memory_space<vmem>>[vector<16xi32>], vector<16xf32>,
    %swap3A_130 = arith.constant 80 : index
    %swap3A_131 = tpu.vector_load %arg7[%swap3A_130] {strides = array<i32>} : memref<512xf32, #tpu.memory_space<vmem>>, vector<16xf32>,
    tpu.vector_store %arg7[%swap3A_130], %gather3A_129 {strides = array<i32>} : memref<512xf32, #tpu.memory_space<vmem>>, vector<16xf32>,
    %shift_right_arithmetic3A_132 = arith.constant 2 : i32
    %shift_right_arithmetic3A_133 = vector.broadcast %shift_right_arithmetic3A_132 : i32 to vector<16xi32>
    %shift_right_arithmetic3A_134 = arith.shrsi %iota3A, %shift_right_arithmetic3A_133 : vector<16xi32>
    %add3A_135 = arith.constant 24 : i32
    %add3A_136 = vector.broadcast %add3A_135 : i32 to vector<16xi32>
    %add3A_137 = arith.addi %add3A_136, %shift_right_arithmetic3A_134 : vector<16xi32>
    %gather3A_138 = tpu.vector_load_idx %arg6[%add3A_137] : memref<128xi32, #tpu.memory_space<vmem>>[vector<16xi32>], vector<16xi32>,
    %mul3A_139 = arith.constant 4 : i32
    %mul3A_140 = vector.broadcast %mul3A_139 : i32 to vector<16xi32>
    %mul3A_141 = arith.muli %gather3A_138, %mul3A_140 : vector<16xi32>
    %and3A_142 = arith.constant 3 : i32
    %and3A_143 = vector.broadcast %and3A_142 : i32 to vector<16xi32>
    %and3A_144 = arith.andi %iota3A, %and3A_143 : vector<16xi32>
    %add3A_145 = arith.addi %mul3A_141, %and3A_144 : vector<16xi32>
    %gather3A_146 = tpu.vector_load_idx %arg5[%add3A_145] : memref<32768xf32, #tpu.memory_space<vmem>>[vector<16xi32>], vector<16xf32>,
    %swap3A_147 = arith.constant 96 : index
    %swap3A_148 = tpu.vector_load %arg7[%swap3A_147] {strides = array<i32>} : memref<512xf32, #tpu.memory_space<vmem>>, vector<16xf32>,
    tpu.vector_store %arg7[%swap3A_147], %gather3A_146 {strides = array<i32>} : memref<512xf32, #tpu.memory_space<vmem>>, vector<16xf32>,
    %shift_right_arithmetic3A_149 = arith.constant 2 : i32
    %shift_right_arithmetic3A_150 = vector.broadcast %shift_right_arithmetic3A_149 : i32 to vector<16xi32>
    %shift_right_arithmetic3A_151 = arith.shrsi %iota3A, %shift_right_arithmetic3A_150 : vector<16xi32>
    %add3A_152 = arith.constant 28 : i32
    %add3A_153 = vector.broadcast %add3A_152 : i32 to vector<16xi32>
    %add3A_154 = arith.addi %add3A_153, %shift_right_arithmetic3A_151 : vector<16xi32>
    %gather3A_155 = tpu.vector_load_idx %arg6[%add3A_154] : memref<128xi32, #tpu.memory_space<vmem>>[vector<16xi32>], vector<16xi32>,
    %mul3A_156 = arith.constant 4 : i32
    %mul3A_157 = vector.broadcast %mul3A_156 : i32 to vector<16xi32>
    %mul3A_158 = arith.muli %gather3A_155, %mul3A_157 : vector<16xi32>
    %and3A_159 = arith.constant 3 : i32
    %and3A_160 = vector.broadcast %and3A_159 : i32 to vector<16xi32>
    %and3A_161 = arith.andi %iota3A, %and3A_160 : vector<16xi32>
    %add3A_162 = arith.addi %mul3A_158, %and3A_161 : vector<16xi32>
    %gather3A_163 = tpu.vector_load_idx %arg5[%add3A_162] : memref<32768xf32, #tpu.memory_space<vmem>>[vector<16xi32>], vector<16xf32>,
    %swap3A_164 = arith.constant 112 : index
    %swap3A_165 = tpu.vector_load %arg7[%swap3A_164] {strides = array<i32>} : memref<512xf32, #tpu.memory_space<vmem>>, vector<16xf32>,
    tpu.vector_store %arg7[%swap3A_164], %gather3A_163 {strides = array<i32>} : memref<512xf32, #tpu.memory_space<vmem>>, vector<16xf32>,
    %shift_right_arithmetic3A_166 = arith.constant 2 : i32
    %shift_right_arithmetic3A_167 = vector.broadcast %shift_right_arithmetic3A_166 : i32 to vector<16xi32>
    %shift_right_arithmetic3A_168 = arith.shrsi %iota3A, %shift_right_arithmetic3A_167 : vector<16xi32>
    %add3A_169 = arith.constant 32 : i32
    %add3A_170 = vector.broadcast %add3A_169 : i32 to vector<16xi32>
    %add3A_171 = arith.addi %add3A_170, %shift_right_arithmetic3A_168 : vector<16xi32>
    %gather3A_172 = tpu.vector_load_idx %arg6[%add3A_171] : memref<128xi32, #tpu.memory_space<vmem>>[vector<16xi32>], vector<16xi32>,
    %mul3A_173 = arith.constant 4 : i32
    %mul3A_174 = vector.broadcast %mul3A_173 : i32 to vector<16xi32>
    %mul3A_175 = arith.muli %gather3A_172, %mul3A_174 : vector<16xi32>
    %and3A_176 = arith.constant 3 : i32
    %and3A_177 = vector.broadcast %and3A_176 : i32 to vector<16xi32>
    %and3A_178 = arith.andi %iota3A, %and3A_177 : vector<16xi32>
    %add3A_179 = arith.addi %mul3A_175, %and3A_178 : vector<16xi32>
    %gather3A_180 = tpu.vector_load_idx %arg5[%add3A_179] : memref<32768xf32, #tpu.memory_space<vmem>>[vector<16xi32>], vector<16xf32>,
    %swap3A_181 = arith.constant 128 : index
    %swap3A_182 = tpu.vector_load %arg7[%swap3A_181] {strides = array<i32>} : memref<512xf32, #tpu.memory_space<vmem>>, vector<16xf32>,
    tpu.vector_store %arg7[%swap3A_181], %gather3A_180 {strides = array<i32>} : memref<512xf32, #tpu.memory_space<vmem>>, vector<16xf32>,
    %shift_right_arithmetic3A_183 = arith.constant 2 : i32
    %shift_right_arithmetic3A_184 = vector.broadcast %shift_right_arithmetic3A_183 : i32 to vector<16xi32>
    %shift_right_arithmetic3A_185 = arith.shrsi %iota3A, %shift_right_arithmetic3A_184 : vector<16xi32>
    %add3A_186 = arith.constant 36 : i32
    %add3A_187 = vector.broadcast %add3A_186 : i32 to vector<16xi32>
    %add3A_188 = arith.addi %add3A_187, %shift_right_arithmetic3A_185 : vector<16xi32>
    %gather3A_189 = tpu.vector_load_idx %arg6[%add3A_188] : memref<128xi32, #tpu.memory_space<vmem>>[vector<16xi32>], vector<16xi32>,
    %mul3A_190 = arith.constant 4 : i32
    %mul3A_191 = vector.broadcast %mul3A_190 : i32 to vector<16xi32>
    %mul3A_192 = arith.muli %gather3A_189, %mul3A_191 : vector<16xi32>
    %and3A_193 = arith.constant 3 : i32
    %and3A_194 = vector.broadcast %and3A_193 : i32 to vector<16xi32>
    %and3A_195 = arith.andi %iota3A, %and3A_194 : vector<16xi32>
    %add3A_196 = arith.addi %mul3A_192, %and3A_195 : vector<16xi32>
    %gather3A_197 = tpu.vector_load_idx %arg5[%add3A_196] : memref<32768xf32, #tpu.memory_space<vmem>>[vector<16xi32>], vector<16xf32>,
    %swap3A_198 = arith.constant 144 : index
    %swap3A_199 = tpu.vector_load %arg7[%swap3A_198] {strides = array<i32>} : memref<512xf32, #tpu.memory_space<vmem>>, vector<16xf32>,
    tpu.vector_store %arg7[%swap3A_198], %gather3A_197 {strides = array<i32>} : memref<512xf32, #tpu.memory_space<vmem>>, vector<16xf32>,
    %shift_right_arithmetic3A_200 = arith.constant 2 : i32
    %shift_right_arithmetic3A_201 = vector.broadcast %shift_right_arithmetic3A_200 : i32 to vector<16xi32>
    %shift_right_arithmetic3A_202 = arith.shrsi %iota3A, %shift_right_arithmetic3A_201 : vector<16xi32>
    %add3A_203 = arith.constant 40 : i32
    %add3A_204 = vector.broadcast %add3A_203 : i32 to vector<16xi32>
    %add3A_205 = arith.addi %add3A_204, %shift_right_arithmetic3A_202 : vector<16xi32>
    %gather3A_206 = tpu.vector_load_idx %arg6[%add3A_205] : memref<128xi32, #tpu.memory_space<vmem>>[vector<16xi32>], vector<16xi32>,
    %mul3A_207 = arith.constant 4 : i32
    %mul3A_208 = vector.broadcast %mul3A_207 : i32 to vector<16xi32>
    %mul3A_209 = arith.muli %gather3A_206, %mul3A_208 : vector<16xi32>
    %and3A_210 = arith.constant 3 : i32
    %and3A_211 = vector.broadcast %and3A_210 : i32 to vector<16xi32>
    %and3A_212 = arith.andi %iota3A, %and3A_211 : vector<16xi32>
    %add3A_213 = arith.addi %mul3A_209, %and3A_212 : vector<16xi32>
    %gather3A_214 = tpu.vector_load_idx %arg5[%add3A_213] : memref<32768xf32, #tpu.memory_space<vmem>>[vector<16xi32>], vector<16xf32>,
    %swap3A_215 = arith.constant 160 : index
    %swap3A_216 = tpu.vector_load %arg7[%swap3A_215] {strides = array<i32>} : memref<512xf32, #tpu.memory_space<vmem>>, vector<16xf32>,
    tpu.vector_store %arg7[%swap3A_215], %gather3A_214 {strides = array<i32>} : memref<512xf32, #tpu.memory_space<vmem>>, vector<16xf32>,
    %shift_right_arithmetic3A_217 = arith.constant 2 : i32
    %shift_right_arithmetic3A_218 = vector.broadcast %shift_right_arithmetic3A_217 : i32 to vector<16xi32>
    %shift_right_arithmetic3A_219 = arith.shrsi %iota3A, %shift_right_arithmetic3A_218 : vector<16xi32>
    %add3A_220 = arith.constant 44 : i32
    %add3A_221 = vector.broadcast %add3A_220 : i32 to vector<16xi32>
    %add3A_222 = arith.addi %add3A_221, %shift_right_arithmetic3A_219 : vector<16xi32>
    %gather3A_223 = tpu.vector_load_idx %arg6[%add3A_222] : memref<128xi32, #tpu.memory_space<vmem>>[vector<16xi32>], vector<16xi32>,
    %mul3A_224 = arith.constant 4 : i32
    %mul3A_225 = vector.broadcast %mul3A_224 : i32 to vector<16xi32>
    %mul3A_226 = arith.muli %gather3A_223, %mul3A_225 : vector<16xi32>
    %and3A_227 = arith.constant 3 : i32
    %and3A_228 = vector.broadcast %and3A_227 : i32 to vector<16xi32>
    %and3A_229 = arith.andi %iota3A, %and3A_228 : vector<16xi32>
    %add3A_230 = arith.addi %mul3A_226, %and3A_229 : vector<16xi32>
    %gather3A_231 = tpu.vector_load_idx %arg5[%add3A_230] : memref<32768xf32, #tpu.memory_space<vmem>>[vector<16xi32>], vector<16xf32>,
    %swap3A_232 = arith.constant 176 : index
    %swap3A_233 = tpu.vector_load %arg7[%swap3A_232] {strides = array<i32>} : memref<512xf32, #tpu.memory_space<vmem>>, vector<16xf32>,
    tpu.vector_store %arg7[%swap3A_232], %gather3A_231 {strides = array<i32>} : memref<512xf32, #tpu.memory_space<vmem>>, vector<16xf32>,
    %shift_right_arithmetic3A_234 = arith.constant 2 : i32
    %shift_right_arithmetic3A_235 = vector.broadcast %shift_right_arithmetic3A_234 : i32 to vector<16xi32>
    %shift_right_arithmetic3A_236 = arith.shrsi %iota3A, %shift_right_arithmetic3A_235 : vector<16xi32>
    %add3A_237 = arith.constant 48 : i32
    %add3A_238 = vector.broadcast %add3A_237 : i32 to vector<16xi32>
    %add3A_239 = arith.addi %add3A_238, %shift_right_arithmetic3A_236 : vector<16xi32>
    %gather3A_240 = tpu.vector_load_idx %arg6[%add3A_239] : memref<128xi32, #tpu.memory_space<vmem>>[vector<16xi32>], vector<16xi32>,
    %mul3A_241 = arith.constant 4 : i32
    %mul3A_242 = vector.broadcast %mul3A_241 : i32 to vector<16xi32>
    %mul3A_243 = arith.muli %gather3A_240, %mul3A_242 : vector<16xi32>
    %and3A_244 = arith.constant 3 : i32
    %and3A_245 = vector.broadcast %and3A_244 : i32 to vector<16xi32>
    %and3A_246 = arith.andi %iota3A, %and3A_245 : vector<16xi32>
    %add3A_247 = arith.addi %mul3A_243, %and3A_246 : vector<16xi32>
    %gather3A_248 = tpu.vector_load_idx %arg5[%add3A_247] : memref<32768xf32, #tpu.memory_space<vmem>>[vector<16xi32>], vector<16xf32>,
    %swap3A_249 = arith.constant 192 : index
    %swap3A_250 = tpu.vector_load %arg7[%swap3A_249] {strides = array<i32>} : memref<512xf32, #tpu.memory_space<vmem>>, vector<16xf32>,
    tpu.vector_store %arg7[%swap3A_249], %gather3A_248 {strides = array<i32>} : memref<512xf32, #tpu.memory_space<vmem>>, vector<16xf32>,
    %shift_right_arithmetic3A_251 = arith.constant 2 : i32
    %shift_right_arithmetic3A_252 = vector.broadcast %shift_right_arithmetic3A_251 : i32 to vector<16xi32>
    %shift_right_arithmetic3A_253 = arith.shrsi %iota3A, %shift_right_arithmetic3A_252 : vector<16xi32>
    %add3A_254 = arith.constant 52 : i32
    %add3A_255 = vector.broadcast %add3A_254 : i32 to vector<16xi32>
    %add3A_256 = arith.addi %add3A_255, %shift_right_arithmetic3A_253 : vector<16xi32>
    %gather3A_257 = tpu.vector_load_idx %arg6[%add3A_256] : memref<128xi32, #tpu.memory_space<vmem>>[vector<16xi32>], vector<16xi32>,
    %mul3A_258 = arith.constant 4 : i32
    %mul3A_259 = vector.broadcast %mul3A_258 : i32 to vector<16xi32>
    %mul3A_260 = arith.muli %gather3A_257, %mul3A_259 : vector<16xi32>
    %and3A_261 = arith.constant 3 : i32
    %and3A_262 = vector.broadcast %and3A_261 : i32 to vector<16xi32>
    %and3A_263 = arith.andi %iota3A, %and3A_262 : vector<16xi32>
    %add3A_264 = arith.addi %mul3A_260, %and3A_263 : vector<16xi32>
    %gather3A_265 = tpu.vector_load_idx %arg5[%add3A_264] : memref<32768xf32, #tpu.memory_space<vmem>>[vector<16xi32>], vector<16xf32>,
    %swap3A_266 = arith.constant 208 : index
    %swap3A_267 = tpu.vector_load %arg7[%swap3A_266] {strides = array<i32>} : memref<512xf32, #tpu.memory_space<vmem>>, vector<16xf32>,
    tpu.vector_store %arg7[%swap3A_266], %gather3A_265 {strides = array<i32>} : memref<512xf32, #tpu.memory_space<vmem>>, vector<16xf32>,
    %shift_right_arithmetic3A_268 = arith.constant 2 : i32
    %shift_right_arithmetic3A_269 = vector.broadcast %shift_right_arithmetic3A_268 : i32 to vector<16xi32>
    %shift_right_arithmetic3A_270 = arith.shrsi %iota3A, %shift_right_arithmetic3A_269 : vector<16xi32>
    %add3A_271 = arith.constant 56 : i32
    %add3A_272 = vector.broadcast %add3A_271 : i32 to vector<16xi32>
    %add3A_273 = arith.addi %add3A_272, %shift_right_arithmetic3A_270 : vector<16xi32>
    %gather3A_274 = tpu.vector_load_idx %arg6[%add3A_273] : memref<128xi32, #tpu.memory_space<vmem>>[vector<16xi32>], vector<16xi32>,
    %mul3A_275 = arith.constant 4 : i32
    %mul3A_276 = vector.broadcast %mul3A_275 : i32 to vector<16xi32>
    %mul3A_277 = arith.muli %gather3A_274, %mul3A_276 : vector<16xi32>
    %and3A_278 = arith.constant 3 : i32
    %and3A_279 = vector.broadcast %and3A_278 : i32 to vector<16xi32>
    %and3A_280 = arith.andi %iota3A, %and3A_279 : vector<16xi32>
    %add3A_281 = arith.addi %mul3A_277, %and3A_280 : vector<16xi32>
    %gather3A_282 = tpu.vector_load_idx %arg5[%add3A_281] : memref<32768xf32, #tpu.memory_space<vmem>>[vector<16xi32>], vector<16xf32>,
    %swap3A_283 = arith.constant 224 : index
    %swap3A_284 = tpu.vector_load %arg7[%swap3A_283] {strides = array<i32>} : memref<512xf32, #tpu.memory_space<vmem>>, vector<16xf32>,
    tpu.vector_store %arg7[%swap3A_283], %gather3A_282 {strides = array<i32>} : memref<512xf32, #tpu.memory_space<vmem>>, vector<16xf32>,
    %shift_right_arithmetic3A_285 = arith.constant 2 : i32
    %shift_right_arithmetic3A_286 = vector.broadcast %shift_right_arithmetic3A_285 : i32 to vector<16xi32>
    %shift_right_arithmetic3A_287 = arith.shrsi %iota3A, %shift_right_arithmetic3A_286 : vector<16xi32>
    %add3A_288 = arith.constant 60 : i32
    %add3A_289 = vector.broadcast %add3A_288 : i32 to vector<16xi32>
    %add3A_290 = arith.addi %add3A_289, %shift_right_arithmetic3A_287 : vector<16xi32>
    %gather3A_291 = tpu.vector_load_idx %arg6[%add3A_290] : memref<128xi32, #tpu.memory_space<vmem>>[vector<16xi32>], vector<16xi32>,
    %mul3A_292 = arith.constant 4 : i32
    %mul3A_293 = vector.broadcast %mul3A_292 : i32 to vector<16xi32>
    %mul3A_294 = arith.muli %gather3A_291, %mul3A_293 : vector<16xi32>
    %and3A_295 = arith.constant 3 : i32
    %and3A_296 = vector.broadcast %and3A_295 : i32 to vector<16xi32>
    %and3A_297 = arith.andi %iota3A, %and3A_296 : vector<16xi32>
    %add3A_298 = arith.addi %mul3A_294, %and3A_297 : vector<16xi32>
    %gather3A_299 = tpu.vector_load_idx %arg5[%add3A_298] : memref<32768xf32, #tpu.memory_space<vmem>>[vector<16xi32>], vector<16xf32>,
    %swap3A_300 = arith.constant 240 : index
    %swap3A_301 = tpu.vector_load %arg7[%swap3A_300] {strides = array<i32>} : memref<512xf32, #tpu.memory_space<vmem>>, vector<16xf32>,
    tpu.vector_store %arg7[%swap3A_300], %gather3A_299 {strides = array<i32>} : memref<512xf32, #tpu.memory_space<vmem>>, vector<16xf32>,
    %shift_right_arithmetic3A_302 = arith.constant 2 : i32
    %shift_right_arithmetic3A_303 = vector.broadcast %shift_right_arithmetic3A_302 : i32 to vector<16xi32>
    %shift_right_arithmetic3A_304 = arith.shrsi %iota3A, %shift_right_arithmetic3A_303 : vector<16xi32>
    %add3A_305 = arith.constant 64 : i32
    %add3A_306 = vector.broadcast %add3A_305 : i32 to vector<16xi32>
    %add3A_307 = arith.addi %add3A_306, %shift_right_arithmetic3A_304 : vector<16xi32>
    %gather3A_308 = tpu.vector_load_idx %arg6[%add3A_307] : memref<128xi32, #tpu.memory_space<vmem>>[vector<16xi32>], vector<16xi32>,
    %mul3A_309 = arith.constant 4 : i32
    %mul3A_310 = vector.broadcast %mul3A_309 : i32 to vector<16xi32>
    %mul3A_311 = arith.muli %gather3A_308, %mul3A_310 : vector<16xi32>
    %and3A_312 = arith.constant 3 : i32
    %and3A_313 = vector.broadcast %and3A_312 : i32 to vector<16xi32>
    %and3A_314 = arith.andi %iota3A, %and3A_313 : vector<16xi32>
    %add3A_315 = arith.addi %mul3A_311, %and3A_314 : vector<16xi32>
    %gather3A_316 = tpu.vector_load_idx %arg5[%add3A_315] : memref<32768xf32, #tpu.memory_space<vmem>>[vector<16xi32>], vector<16xf32>,
    %swap3A_317 = arith.constant 256 : index
    %swap3A_318 = tpu.vector_load %arg7[%swap3A_317] {strides = array<i32>} : memref<512xf32, #tpu.memory_space<vmem>>, vector<16xf32>,
    tpu.vector_store %arg7[%swap3A_317], %gather3A_316 {strides = array<i32>} : memref<512xf32, #tpu.memory_space<vmem>>, vector<16xf32>,
    %shift_right_arithmetic3A_319 = arith.constant 2 : i32
    %shift_right_arithmetic3A_320 = vector.broadcast %shift_right_arithmetic3A_319 : i32 to vector<16xi32>
    %shift_right_arithmetic3A_321 = arith.shrsi %iota3A, %shift_right_arithmetic3A_320 : vector<16xi32>
    %add3A_322 = arith.constant 68 : i32
    %add3A_323 = vector.broadcast %add3A_322 : i32 to vector<16xi32>
    %add3A_324 = arith.addi %add3A_323, %shift_right_arithmetic3A_321 : vector<16xi32>
    %gather3A_325 = tpu.vector_load_idx %arg6[%add3A_324] : memref<128xi32, #tpu.memory_space<vmem>>[vector<16xi32>], vector<16xi32>,
    %mul3A_326 = arith.constant 4 : i32
    %mul3A_327 = vector.broadcast %mul3A_326 : i32 to vector<16xi32>
    %mul3A_328 = arith.muli %gather3A_325, %mul3A_327 : vector<16xi32>
    %and3A_329 = arith.constant 3 : i32
    %and3A_330 = vector.broadcast %and3A_329 : i32 to vector<16xi32>
    %and3A_331 = arith.andi %iota3A, %and3A_330 : vector<16xi32>
    %add3A_332 = arith.addi %mul3A_328, %and3A_331 : vector<16xi32>
    %gather3A_333 = tpu.vector_load_idx %arg5[%add3A_332] : memref<32768xf32, #tpu.memory_space<vmem>>[vector<16xi32>], vector<16xf32>,
    %swap3A_334 = arith.constant 272 : index
    %swap3A_335 = tpu.vector_load %arg7[%swap3A_334] {strides = array<i32>} : memref<512xf32, #tpu.memory_space<vmem>>, vector<16xf32>,
    tpu.vector_store %arg7[%swap3A_334], %gather3A_333 {strides = array<i32>} : memref<512xf32, #tpu.memory_space<vmem>>, vector<16xf32>,
    %shift_right_arithmetic3A_336 = arith.constant 2 : i32
    %shift_right_arithmetic3A_337 = vector.broadcast %shift_right_arithmetic3A_336 : i32 to vector<16xi32>
    %shift_right_arithmetic3A_338 = arith.shrsi %iota3A, %shift_right_arithmetic3A_337 : vector<16xi32>
    %add3A_339 = arith.constant 72 : i32
    %add3A_340 = vector.broadcast %add3A_339 : i32 to vector<16xi32>
    %add3A_341 = arith.addi %add3A_340, %shift_right_arithmetic3A_338 : vector<16xi32>
    %gather3A_342 = tpu.vector_load_idx %arg6[%add3A_341] : memref<128xi32, #tpu.memory_space<vmem>>[vector<16xi32>], vector<16xi32>,
    %mul3A_343 = arith.constant 4 : i32
    %mul3A_344 = vector.broadcast %mul3A_343 : i32 to vector<16xi32>
    %mul3A_345 = arith.muli %gather3A_342, %mul3A_344 : vector<16xi32>
    %and3A_346 = arith.constant 3 : i32
    %and3A_347 = vector.broadcast %and3A_346 : i32 to vector<16xi32>
    %and3A_348 = arith.andi %iota3A, %and3A_347 : vector<16xi32>
    %add3A_349 = arith.addi %mul3A_345, %and3A_348 : vector<16xi32>
    %gather3A_350 = tpu.vector_load_idx %arg5[%add3A_349] : memref<32768xf32, #tpu.memory_space<vmem>>[vector<16xi32>], vector<16xf32>,
    %swap3A_351 = arith.constant 288 : index
    %swap3A_352 = tpu.vector_load %arg7[%swap3A_351] {strides = array<i32>} : memref<512xf32, #tpu.memory_space<vmem>>, vector<16xf32>,
    tpu.vector_store %arg7[%swap3A_351], %gather3A_350 {strides = array<i32>} : memref<512xf32, #tpu.memory_space<vmem>>, vector<16xf32>,
    %shift_right_arithmetic3A_353 = arith.constant 2 : i32
    %shift_right_arithmetic3A_354 = vector.broadcast %shift_right_arithmetic3A_353 : i32 to vector<16xi32>
    %shift_right_arithmetic3A_355 = arith.shrsi %iota3A, %shift_right_arithmetic3A_354 : vector<16xi32>
    %add3A_356 = arith.constant 76 : i32
    %add3A_357 = vector.broadcast %add3A_356 : i32 to vector<16xi32>
    %add3A_358 = arith.addi %add3A_357, %shift_right_arithmetic3A_355 : vector<16xi32>
    %gather3A_359 = tpu.vector_load_idx %arg6[%add3A_358] : memref<128xi32, #tpu.memory_space<vmem>>[vector<16xi32>], vector<16xi32>,
    %mul3A_360 = arith.constant 4 : i32
    %mul3A_361 = vector.broadcast %mul3A_360 : i32 to vector<16xi32>
    %mul3A_362 = arith.muli %gather3A_359, %mul3A_361 : vector<16xi32>
    %and3A_363 = arith.constant 3 : i32
    %and3A_364 = vector.broadcast %and3A_363 : i32 to vector<16xi32>
    %and3A_365 = arith.andi %iota3A, %and3A_364 : vector<16xi32>
    %add3A_366 = arith.addi %mul3A_362, %and3A_365 : vector<16xi32>
    %gather3A_367 = tpu.vector_load_idx %arg5[%add3A_366] : memref<32768xf32, #tpu.memory_space<vmem>>[vector<16xi32>], vector<16xf32>,
    %swap3A_368 = arith.constant 304 : index
    %swap3A_369 = tpu.vector_load %arg7[%swap3A_368] {strides = array<i32>} : memref<512xf32, #tpu.memory_space<vmem>>, vector<16xf32>,
    tpu.vector_store %arg7[%swap3A_368], %gather3A_367 {strides = array<i32>} : memref<512xf32, #tpu.memory_space<vmem>>, vector<16xf32>,
    %shift_right_arithmetic3A_370 = arith.constant 2 : i32
    %shift_right_arithmetic3A_371 = vector.broadcast %shift_right_arithmetic3A_370 : i32 to vector<16xi32>
    %shift_right_arithmetic3A_372 = arith.shrsi %iota3A, %shift_right_arithmetic3A_371 : vector<16xi32>
    %add3A_373 = arith.constant 80 : i32
    %add3A_374 = vector.broadcast %add3A_373 : i32 to vector<16xi32>
    %add3A_375 = arith.addi %add3A_374, %shift_right_arithmetic3A_372 : vector<16xi32>
    %gather3A_376 = tpu.vector_load_idx %arg6[%add3A_375] : memref<128xi32, #tpu.memory_space<vmem>>[vector<16xi32>], vector<16xi32>,
    %mul3A_377 = arith.constant 4 : i32
    %mul3A_378 = vector.broadcast %mul3A_377 : i32 to vector<16xi32>
    %mul3A_379 = arith.muli %gather3A_376, %mul3A_378 : vector<16xi32>
    %and3A_380 = arith.constant 3 : i32
    %and3A_381 = vector.broadcast %and3A_380 : i32 to vector<16xi32>
    %and3A_382 = arith.andi %iota3A, %and3A_381 : vector<16xi32>
    %add3A_383 = arith.addi %mul3A_379, %and3A_382 : vector<16xi32>
    %gather3A_384 = tpu.vector_load_idx %arg5[%add3A_383] : memref<32768xf32, #tpu.memory_space<vmem>>[vector<16xi32>], vector<16xf32>,
    %swap3A_385 = arith.constant 320 : index
    %swap3A_386 = tpu.vector_load %arg7[%swap3A_385] {strides = array<i32>} : memref<512xf32, #tpu.memory_space<vmem>>, vector<16xf32>,
    tpu.vector_store %arg7[%swap3A_385], %gather3A_384 {strides = array<i32>} : memref<512xf32, #tpu.memory_space<vmem>>, vector<16xf32>,
    %shift_right_arithmetic3A_387 = arith.constant 2 : i32
    %shift_right_arithmetic3A_388 = vector.broadcast %shift_right_arithmetic3A_387 : i32 to vector<16xi32>
    %shift_right_arithmetic3A_389 = arith.shrsi %iota3A, %shift_right_arithmetic3A_388 : vector<16xi32>
    %add3A_390 = arith.constant 84 : i32
    %add3A_391 = vector.broadcast %add3A_390 : i32 to vector<16xi32>
    %add3A_392 = arith.addi %add3A_391, %shift_right_arithmetic3A_389 : vector<16xi32>
    %gather3A_393 = tpu.vector_load_idx %arg6[%add3A_392] : memref<128xi32, #tpu.memory_space<vmem>>[vector<16xi32>], vector<16xi32>,
    %mul3A_394 = arith.constant 4 : i32
    %mul3A_395 = vector.broadcast %mul3A_394 : i32 to vector<16xi32>
    %mul3A_396 = arith.muli %gather3A_393, %mul3A_395 : vector<16xi32>
    %and3A_397 = arith.constant 3 : i32
    %and3A_398 = vector.broadcast %and3A_397 : i32 to vector<16xi32>
    %and3A_399 = arith.andi %iota3A, %and3A_398 : vector<16xi32>
    %add3A_400 = arith.addi %mul3A_396, %and3A_399 : vector<16xi32>
    %gather3A_401 = tpu.vector_load_idx %arg5[%add3A_400] : memref<32768xf32, #tpu.memory_space<vmem>>[vector<16xi32>], vector<16xf32>,
    %swap3A_402 = arith.constant 336 : index
    %swap3A_403 = tpu.vector_load %arg7[%swap3A_402] {strides = array<i32>} : memref<512xf32, #tpu.memory_space<vmem>>, vector<16xf32>,
    tpu.vector_store %arg7[%swap3A_402], %gather3A_401 {strides = array<i32>} : memref<512xf32, #tpu.memory_space<vmem>>, vector<16xf32>,
    %shift_right_arithmetic3A_404 = arith.constant 2 : i32
    %shift_right_arithmetic3A_405 = vector.broadcast %shift_right_arithmetic3A_404 : i32 to vector<16xi32>
    %shift_right_arithmetic3A_406 = arith.shrsi %iota3A, %shift_right_arithmetic3A_405 : vector<16xi32>
    %add3A_407 = arith.constant 88 : i32
    %add3A_408 = vector.broadcast %add3A_407 : i32 to vector<16xi32>
    %add3A_409 = arith.addi %add3A_408, %shift_right_arithmetic3A_406 : vector<16xi32>
    %gather3A_410 = tpu.vector_load_idx %arg6[%add3A_409] : memref<128xi32, #tpu.memory_space<vmem>>[vector<16xi32>], vector<16xi32>,
    %mul3A_411 = arith.constant 4 : i32
    %mul3A_412 = vector.broadcast %mul3A_411 : i32 to vector<16xi32>
    %mul3A_413 = arith.muli %gather3A_410, %mul3A_412 : vector<16xi32>
    %and3A_414 = arith.constant 3 : i32
    %and3A_415 = vector.broadcast %and3A_414 : i32 to vector<16xi32>
    %and3A_416 = arith.andi %iota3A, %and3A_415 : vector<16xi32>
    %add3A_417 = arith.addi %mul3A_413, %and3A_416 : vector<16xi32>
    %gather3A_418 = tpu.vector_load_idx %arg5[%add3A_417] : memref<32768xf32, #tpu.memory_space<vmem>>[vector<16xi32>], vector<16xf32>,
    %swap3A_419 = arith.constant 352 : index
    %swap3A_420 = tpu.vector_load %arg7[%swap3A_419] {strides = array<i32>} : memref<512xf32, #tpu.memory_space<vmem>>, vector<16xf32>,
    tpu.vector_store %arg7[%swap3A_419], %gather3A_418 {strides = array<i32>} : memref<512xf32, #tpu.memory_space<vmem>>, vector<16xf32>,
    %shift_right_arithmetic3A_421 = arith.constant 2 : i32
    %shift_right_arithmetic3A_422 = vector.broadcast %shift_right_arithmetic3A_421 : i32 to vector<16xi32>
    %shift_right_arithmetic3A_423 = arith.shrsi %iota3A, %shift_right_arithmetic3A_422 : vector<16xi32>
    %add3A_424 = arith.constant 92 : i32
    %add3A_425 = vector.broadcast %add3A_424 : i32 to vector<16xi32>
    %add3A_426 = arith.addi %add3A_425, %shift_right_arithmetic3A_423 : vector<16xi32>
    %gather3A_427 = tpu.vector_load_idx %arg6[%add3A_426] : memref<128xi32, #tpu.memory_space<vmem>>[vector<16xi32>], vector<16xi32>,
    %mul3A_428 = arith.constant 4 : i32
    %mul3A_429 = vector.broadcast %mul3A_428 : i32 to vector<16xi32>
    %mul3A_430 = arith.muli %gather3A_427, %mul3A_429 : vector<16xi32>
    %and3A_431 = arith.constant 3 : i32
    %and3A_432 = vector.broadcast %and3A_431 : i32 to vector<16xi32>
    %and3A_433 = arith.andi %iota3A, %and3A_432 : vector<16xi32>
    %add3A_434 = arith.addi %mul3A_430, %and3A_433 : vector<16xi32>
    %gather3A_435 = tpu.vector_load_idx %arg5[%add3A_434] : memref<32768xf32, #tpu.memory_space<vmem>>[vector<16xi32>], vector<16xf32>,
    %swap3A_436 = arith.constant 368 : index
    %swap3A_437 = tpu.vector_load %arg7[%swap3A_436] {strides = array<i32>} : memref<512xf32, #tpu.memory_space<vmem>>, vector<16xf32>,
    tpu.vector_store %arg7[%swap3A_436], %gather3A_435 {strides = array<i32>} : memref<512xf32, #tpu.memory_space<vmem>>, vector<16xf32>,
    %shift_right_arithmetic3A_438 = arith.constant 2 : i32
    %shift_right_arithmetic3A_439 = vector.broadcast %shift_right_arithmetic3A_438 : i32 to vector<16xi32>
    %shift_right_arithmetic3A_440 = arith.shrsi %iota3A, %shift_right_arithmetic3A_439 : vector<16xi32>
    %add3A_441 = arith.constant 96 : i32
    %add3A_442 = vector.broadcast %add3A_441 : i32 to vector<16xi32>
    %add3A_443 = arith.addi %add3A_442, %shift_right_arithmetic3A_440 : vector<16xi32>
    %gather3A_444 = tpu.vector_load_idx %arg6[%add3A_443] : memref<128xi32, #tpu.memory_space<vmem>>[vector<16xi32>], vector<16xi32>,
    %mul3A_445 = arith.constant 4 : i32
    %mul3A_446 = vector.broadcast %mul3A_445 : i32 to vector<16xi32>
    %mul3A_447 = arith.muli %gather3A_444, %mul3A_446 : vector<16xi32>
    %and3A_448 = arith.constant 3 : i32
    %and3A_449 = vector.broadcast %and3A_448 : i32 to vector<16xi32>
    %and3A_450 = arith.andi %iota3A, %and3A_449 : vector<16xi32>
    %add3A_451 = arith.addi %mul3A_447, %and3A_450 : vector<16xi32>
    %gather3A_452 = tpu.vector_load_idx %arg5[%add3A_451] : memref<32768xf32, #tpu.memory_space<vmem>>[vector<16xi32>], vector<16xf32>,
    %swap3A_453 = arith.constant 384 : index
    %swap3A_454 = tpu.vector_load %arg7[%swap3A_453] {strides = array<i32>} : memref<512xf32, #tpu.memory_space<vmem>>, vector<16xf32>,
    tpu.vector_store %arg7[%swap3A_453], %gather3A_452 {strides = array<i32>} : memref<512xf32, #tpu.memory_space<vmem>>, vector<16xf32>,
    %shift_right_arithmetic3A_455 = arith.constant 2 : i32
    %shift_right_arithmetic3A_456 = vector.broadcast %shift_right_arithmetic3A_455 : i32 to vector<16xi32>
    %shift_right_arithmetic3A_457 = arith.shrsi %iota3A, %shift_right_arithmetic3A_456 : vector<16xi32>
    %add3A_458 = arith.constant 100 : i32
    %add3A_459 = vector.broadcast %add3A_458 : i32 to vector<16xi32>
    %add3A_460 = arith.addi %add3A_459, %shift_right_arithmetic3A_457 : vector<16xi32>
    %gather3A_461 = tpu.vector_load_idx %arg6[%add3A_460] : memref<128xi32, #tpu.memory_space<vmem>>[vector<16xi32>], vector<16xi32>,
    %mul3A_462 = arith.constant 4 : i32
    %mul3A_463 = vector.broadcast %mul3A_462 : i32 to vector<16xi32>
    %mul3A_464 = arith.muli %gather3A_461, %mul3A_463 : vector<16xi32>
    %and3A_465 = arith.constant 3 : i32
    %and3A_466 = vector.broadcast %and3A_465 : i32 to vector<16xi32>
    %and3A_467 = arith.andi %iota3A, %and3A_466 : vector<16xi32>
    %add3A_468 = arith.addi %mul3A_464, %and3A_467 : vector<16xi32>
    %gather3A_469 = tpu.vector_load_idx %arg5[%add3A_468] : memref<32768xf32, #tpu.memory_space<vmem>>[vector<16xi32>], vector<16xf32>,
    %swap3A_470 = arith.constant 400 : index
    %swap3A_471 = tpu.vector_load %arg7[%swap3A_470] {strides = array<i32>} : memref<512xf32, #tpu.memory_space<vmem>>, vector<16xf32>,
    tpu.vector_store %arg7[%swap3A_470], %gather3A_469 {strides = array<i32>} : memref<512xf32, #tpu.memory_space<vmem>>, vector<16xf32>,
    %shift_right_arithmetic3A_472 = arith.constant 2 : i32
    %shift_right_arithmetic3A_473 = vector.broadcast %shift_right_arithmetic3A_472 : i32 to vector<16xi32>
    %shift_right_arithmetic3A_474 = arith.shrsi %iota3A, %shift_right_arithmetic3A_473 : vector<16xi32>
    %add3A_475 = arith.constant 104 : i32
    %add3A_476 = vector.broadcast %add3A_475 : i32 to vector<16xi32>
    %add3A_477 = arith.addi %add3A_476, %shift_right_arithmetic3A_474 : vector<16xi32>
    %gather3A_478 = tpu.vector_load_idx %arg6[%add3A_477] : memref<128xi32, #tpu.memory_space<vmem>>[vector<16xi32>], vector<16xi32>,
    %mul3A_479 = arith.constant 4 : i32
    %mul3A_480 = vector.broadcast %mul3A_479 : i32 to vector<16xi32>
    %mul3A_481 = arith.muli %gather3A_478, %mul3A_480 : vector<16xi32>
    %and3A_482 = arith.constant 3 : i32
    %and3A_483 = vector.broadcast %and3A_482 : i32 to vector<16xi32>
    %and3A_484 = arith.andi %iota3A, %and3A_483 : vector<16xi32>
    %add3A_485 = arith.addi %mul3A_481, %and3A_484 : vector<16xi32>
    %gather3A_486 = tpu.vector_load_idx %arg5[%add3A_485] : memref<32768xf32, #tpu.memory_space<vmem>>[vector<16xi32>], vector<16xf32>,
    %swap3A_487 = arith.constant 416 : index
    %swap3A_488 = tpu.vector_load %arg7[%swap3A_487] {strides = array<i32>} : memref<512xf32, #tpu.memory_space<vmem>>, vector<16xf32>,
    tpu.vector_store %arg7[%swap3A_487], %gather3A_486 {strides = array<i32>} : memref<512xf32, #tpu.memory_space<vmem>>, vector<16xf32>,
    %shift_right_arithmetic3A_489 = arith.constant 2 : i32
    %shift_right_arithmetic3A_490 = vector.broadcast %shift_right_arithmetic3A_489 : i32 to vector<16xi32>
    %shift_right_arithmetic3A_491 = arith.shrsi %iota3A, %shift_right_arithmetic3A_490 : vector<16xi32>
    %add3A_492 = arith.constant 108 : i32
    %add3A_493 = vector.broadcast %add3A_492 : i32 to vector<16xi32>
    %add3A_494 = arith.addi %add3A_493, %shift_right_arithmetic3A_491 : vector<16xi32>
    %gather3A_495 = tpu.vector_load_idx %arg6[%add3A_494] : memref<128xi32, #tpu.memory_space<vmem>>[vector<16xi32>], vector<16xi32>,
    %mul3A_496 = arith.constant 4 : i32
    %mul3A_497 = vector.broadcast %mul3A_496 : i32 to vector<16xi32>
    %mul3A_498 = arith.muli %gather3A_495, %mul3A_497 : vector<16xi32>
    %and3A_499 = arith.constant 3 : i32
    %and3A_500 = vector.broadcast %and3A_499 : i32 to vector<16xi32>
    %and3A_501 = arith.andi %iota3A, %and3A_500 : vector<16xi32>
    %add3A_502 = arith.addi %mul3A_498, %and3A_501 : vector<16xi32>
    %gather3A_503 = tpu.vector_load_idx %arg5[%add3A_502] : memref<32768xf32, #tpu.memory_space<vmem>>[vector<16xi32>], vector<16xf32>,
    %swap3A_504 = arith.constant 432 : index
    %swap3A_505 = tpu.vector_load %arg7[%swap3A_504] {strides = array<i32>} : memref<512xf32, #tpu.memory_space<vmem>>, vector<16xf32>,
    tpu.vector_store %arg7[%swap3A_504], %gather3A_503 {strides = array<i32>} : memref<512xf32, #tpu.memory_space<vmem>>, vector<16xf32>,
    %shift_right_arithmetic3A_506 = arith.constant 2 : i32
    %shift_right_arithmetic3A_507 = vector.broadcast %shift_right_arithmetic3A_506 : i32 to vector<16xi32>
    %shift_right_arithmetic3A_508 = arith.shrsi %iota3A, %shift_right_arithmetic3A_507 : vector<16xi32>
    %add3A_509 = arith.constant 112 : i32
    %add3A_510 = vector.broadcast %add3A_509 : i32 to vector<16xi32>
    %add3A_511 = arith.addi %add3A_510, %shift_right_arithmetic3A_508 : vector<16xi32>
    %gather3A_512 = tpu.vector_load_idx %arg6[%add3A_511] : memref<128xi32, #tpu.memory_space<vmem>>[vector<16xi32>], vector<16xi32>,
    %mul3A_513 = arith.constant 4 : i32
    %mul3A_514 = vector.broadcast %mul3A_513 : i32 to vector<16xi32>
    %mul3A_515 = arith.muli %gather3A_512, %mul3A_514 : vector<16xi32>
    %and3A_516 = arith.constant 3 : i32
    %and3A_517 = vector.broadcast %and3A_516 : i32 to vector<16xi32>
    %and3A_518 = arith.andi %iota3A, %and3A_517 : vector<16xi32>
    %add3A_519 = arith.addi %mul3A_515, %and3A_518 : vector<16xi32>
    %gather3A_520 = tpu.vector_load_idx %arg5[%add3A_519] : memref<32768xf32, #tpu.memory_space<vmem>>[vector<16xi32>], vector<16xf32>,
    %swap3A_521 = arith.constant 448 : index
    %swap3A_522 = tpu.vector_load %arg7[%swap3A_521] {strides = array<i32>} : memref<512xf32, #tpu.memory_space<vmem>>, vector<16xf32>,
    tpu.vector_store %arg7[%swap3A_521], %gather3A_520 {strides = array<i32>} : memref<512xf32, #tpu.memory_space<vmem>>, vector<16xf32>,
    %shift_right_arithmetic3A_523 = arith.constant 2 : i32
    %shift_right_arithmetic3A_524 = vector.broadcast %shift_right_arithmetic3A_523 : i32 to vector<16xi32>
    %shift_right_arithmetic3A_525 = arith.shrsi %iota3A, %shift_right_arithmetic3A_524 : vector<16xi32>
    %add3A_526 = arith.constant 116 : i32
    %add3A_527 = vector.broadcast %add3A_526 : i32 to vector<16xi32>
    %add3A_528 = arith.addi %add3A_527, %shift_right_arithmetic3A_525 : vector<16xi32>
    %gather3A_529 = tpu.vector_load_idx %arg6[%add3A_528] : memref<128xi32, #tpu.memory_space<vmem>>[vector<16xi32>], vector<16xi32>,
    %mul3A_530 = arith.constant 4 : i32
    %mul3A_531 = vector.broadcast %mul3A_530 : i32 to vector<16xi32>
    %mul3A_532 = arith.muli %gather3A_529, %mul3A_531 : vector<16xi32>
    %and3A_533 = arith.constant 3 : i32
    %and3A_534 = vector.broadcast %and3A_533 : i32 to vector<16xi32>
    %and3A_535 = arith.andi %iota3A, %and3A_534 : vector<16xi32>
    %add3A_536 = arith.addi %mul3A_532, %and3A_535 : vector<16xi32>
    %gather3A_537 = tpu.vector_load_idx %arg5[%add3A_536] : memref<32768xf32, #tpu.memory_space<vmem>>[vector<16xi32>], vector<16xf32>,
    %swap3A_538 = arith.constant 464 : index
    %swap3A_539 = tpu.vector_load %arg7[%swap3A_538] {strides = array<i32>} : memref<512xf32, #tpu.memory_space<vmem>>, vector<16xf32>,
    tpu.vector_store %arg7[%swap3A_538], %gather3A_537 {strides = array<i32>} : memref<512xf32, #tpu.memory_space<vmem>>, vector<16xf32>,
    %shift_right_arithmetic3A_540 = arith.constant 2 : i32
    %shift_right_arithmetic3A_541 = vector.broadcast %shift_right_arithmetic3A_540 : i32 to vector<16xi32>
    %shift_right_arithmetic3A_542 = arith.shrsi %iota3A, %shift_right_arithmetic3A_541 : vector<16xi32>
    %add3A_543 = arith.constant 120 : i32
    %add3A_544 = vector.broadcast %add3A_543 : i32 to vector<16xi32>
    %add3A_545 = arith.addi %add3A_544, %shift_right_arithmetic3A_542 : vector<16xi32>
    %gather3A_546 = tpu.vector_load_idx %arg6[%add3A_545] : memref<128xi32, #tpu.memory_space<vmem>>[vector<16xi32>], vector<16xi32>,
    %mul3A_547 = arith.constant 4 : i32
    %mul3A_548 = vector.broadcast %mul3A_547 : i32 to vector<16xi32>
    %mul3A_549 = arith.muli %gather3A_546, %mul3A_548 : vector<16xi32>
    %and3A_550 = arith.constant 3 : i32
    %and3A_551 = vector.broadcast %and3A_550 : i32 to vector<16xi32>
    %and3A_552 = arith.andi %iota3A, %and3A_551 : vector<16xi32>
    %add3A_553 = arith.addi %mul3A_549, %and3A_552 : vector<16xi32>
    %gather3A_554 = tpu.vector_load_idx %arg5[%add3A_553] : memref<32768xf32, #tpu.memory_space<vmem>>[vector<16xi32>], vector<16xf32>,
    %swap3A_555 = arith.constant 480 : index
    %swap3A_556 = tpu.vector_load %arg7[%swap3A_555] {strides = array<i32>} : memref<512xf32, #tpu.memory_space<vmem>>, vector<16xf32>,
    tpu.vector_store %arg7[%swap3A_555], %gather3A_554 {strides = array<i32>} : memref<512xf32, #tpu.memory_space<vmem>>, vector<16xf32>,
    %shift_right_arithmetic3A_557 = arith.constant 2 : i32
    %shift_right_arithmetic3A_558 = vector.broadcast %shift_right_arithmetic3A_557 : i32 to vector<16xi32>
    %shift_right_arithmetic3A_559 = arith.shrsi %iota3A, %shift_right_arithmetic3A_558 : vector<16xi32>
    %add3A_560 = arith.constant 124 : i32
    %add3A_561 = vector.broadcast %add3A_560 : i32 to vector<16xi32>
    %add3A_562 = arith.addi %add3A_561, %shift_right_arithmetic3A_559 : vector<16xi32>
    %gather3A_563 = tpu.vector_load_idx %arg6[%add3A_562] : memref<128xi32, #tpu.memory_space<vmem>>[vector<16xi32>], vector<16xi32>,
    %mul3A_564 = arith.constant 4 : i32
    %mul3A_565 = vector.broadcast %mul3A_564 : i32 to vector<16xi32>
    %mul3A_566 = arith.muli %gather3A_563, %mul3A_565 : vector<16xi32>
    %and3A_567 = arith.constant 3 : i32
    %and3A_568 = vector.broadcast %and3A_567 : i32 to vector<16xi32>
    %and3A_569 = arith.andi %iota3A, %and3A_568 : vector<16xi32>
    %add3A_570 = arith.addi %mul3A_566, %and3A_569 : vector<16xi32>
    %gather3A_571 = tpu.vector_load_idx %arg5[%add3A_570] : memref<32768xf32, #tpu.memory_space<vmem>>[vector<16xi32>], vector<16xf32>,
    %swap3A_572 = arith.constant 496 : index
    %swap3A_573 = tpu.vector_load %arg7[%swap3A_572] {strides = array<i32>} : memref<512xf32, #tpu.memory_space<vmem>>, vector<16xf32>,
    tpu.vector_store %arg7[%swap3A_572], %gather3A_571 {strides = array<i32>} : memref<512xf32, #tpu.memory_space<vmem>>, vector<16xf32>,
    %mul3A_574 = arith.constant 4 : i32
    %mul3A_575 = arith.muli %mul3A_32, %mul3A_574 : i32
    "tpu.region"() ({
      %run_scoped3A = tpu.sem_alloc : memref<!tpu.dma_semaphore, #tpu.memory_space<semaphore_mem>>
      %dma_start3A = tpu.memref_slice %arg4[%select_n3A, %mul3A_575] : memref<8x2048xf32, #tpu.memory_space<hbm>> -> memref<1x512xf32, #tpu.memory_space<hbm>>
      %dma_start3A_576 = tpu.memref_squeeze %dma_start3A : memref<1x512xf32, #tpu.memory_space<hbm>> -> memref<512xf32, #tpu.memory_space<hbm>>
      %dma_start3A_577 = tpu.memref_slice %arg4[%select_n3A, %mul3A_575] : memref<8x2048xf32, #tpu.memory_space<hbm>> -> memref<1x512xf32, #tpu.memory_space<hbm>>
      %dma_start3A_578 = tpu.memref_squeeze %dma_start3A_577 : memref<1x512xf32, #tpu.memory_space<hbm>> -> memref<512xf32, #tpu.memory_space<hbm>>
      tpu.enqueue_dma source(%arg7 : memref<512xf32, #tpu.memory_space<vmem>>) target(%dma_start3A_578 : memref<512xf32, #tpu.memory_space<hbm>>) target_semaphore(%run_scoped3A : memref<!tpu.dma_semaphore, #tpu.memory_space<semaphore_mem>>)
      %dma_wait3A = tpu.memref_slice %arg4[%select_n3A, %mul3A_575] : memref<8x2048xf32, #tpu.memory_space<hbm>> -> memref<1x512xf32, #tpu.memory_space<hbm>>
      %dma_wait3A_579 = tpu.memref_squeeze %dma_wait3A : memref<1x512xf32, #tpu.memory_space<hbm>> -> memref<512xf32, #tpu.memory_space<hbm>>
      %dma_wait3A_580 = tpu.memref_slice %arg4[%select_n3A, %mul3A_575] : memref<8x2048xf32, #tpu.memory_space<hbm>> -> memref<1x512xf32, #tpu.memory_space<hbm>>
      %dma_wait3A_581 = tpu.memref_squeeze %dma_wait3A_580 : memref<1x512xf32, #tpu.memory_space<hbm>> -> memref<512xf32, #tpu.memory_space<hbm>>
      tpu.wait_dma2 semaphore(%run_scoped3A : memref<!tpu.dma_semaphore, #tpu.memory_space<semaphore_mem>>) src(%arg7 : memref<512xf32, #tpu.memory_space<vmem>>) dst(%dma_wait3A_581 : memref<512xf32, #tpu.memory_space<hbm>>)
      tpu.yield
    }) : () -> ()
    return
  }
}

module attributes {stable_mosaic.version = 14 : i64} {
  func.func @_bq_body(%arg0: i32, %arg1: i32, %arg2: memref<1x8x8192xf32, #tpu.memory_space<vmem>>, %arg3: memref<1x64x4xf32, #tpu.memory_space<vmem>>, %arg4: memref<1x64x32xi32, #tpu.memory_space<vmem>>) attributes {dimension_semantics = [#tpu.dimension_semantics<arbitrary>, #tpu.dimension_semantics<arbitrary>], iteration_bounds = array<i64: 8, 8>, scalar_prefetch = 0 : i64, scratch_operands = 0 : i64, tpu.core_type = #tpu.core_type<tc>, window_params = [{transform_indices = @transform_0, window_bounds = array<i64: 1, 8, 8192>}, {transform_indices = @transform_1, window_bounds = array<i64: 1, 64, 4>}, {transform_indices = @transform_2, window_bounds = array<i64: 1, 64, 32>}]} {
    %get3A = arith.constant 0 : index
    %get3A_0 = arith.constant 0 : index
    %get3A_1 = arith.constant 0 : index
    %get3A_2 = vector.load %arg2[%get3A, %get3A_0, %get3A_1] : memref<1x8x8192xf32, #tpu.memory_space<vmem>>, vector<1x8x8192xf32>
    %get3A_3 = vector.shape_cast %get3A_2 : vector<1x8x8192xf32> to vector<8x8192xf32>
    %get3A_4 = arith.constant 0 : index
    %get3A_5 = arith.constant 0 : index
    %get3A_6 = arith.constant 0 : index
    %get3A_7 = vector.load %arg3[%get3A_4, %get3A_5, %get3A_6] : memref<1x64x4xf32, #tpu.memory_space<vmem>>, vector<1x64x4xf32>
    %get3A_8 = vector.shape_cast %get3A_7 : vector<1x64x4xf32> to vector<64x4xf32>
    %slice3A = vector.extract_strided_slice %get3A_8 {offsets = [0, 0], sizes = [64, 1], strides = [1, 1]} : vector<64x4xf32> to vector<64x1xf32>
    %slice3A_9 = vector.extract_strided_slice %get3A_3 {offsets = [0, 0], sizes = [1, 8192], strides = [1, 1]} : vector<8x8192xf32> to vector<1x8192xf32>
    %sub3A = vector.broadcast %slice3A : vector<64x1xf32> to vector<64x8192xf32>
    %sub3A_10 = vector.broadcast %slice3A_9 : vector<1x8192xf32> to vector<64x8192xf32>
    %sub3A_11 = arith.subf %sub3A, %sub3A_10 : vector<64x8192xf32>
    %slice3A_12 = vector.extract_strided_slice %get3A_8 {offsets = [0, 1], sizes = [64, 1], strides = [1, 1]} : vector<64x4xf32> to vector<64x1xf32>
    %slice3A_13 = vector.extract_strided_slice %get3A_3 {offsets = [1, 0], sizes = [1, 8192], strides = [1, 1]} : vector<8x8192xf32> to vector<1x8192xf32>
    %sub3A_14 = vector.broadcast %slice3A_12 : vector<64x1xf32> to vector<64x8192xf32>
    %sub3A_15 = vector.broadcast %slice3A_13 : vector<1x8192xf32> to vector<64x8192xf32>
    %sub3A_16 = arith.subf %sub3A_14, %sub3A_15 : vector<64x8192xf32>
    %slice3A_17 = vector.extract_strided_slice %get3A_8 {offsets = [0, 2], sizes = [64, 1], strides = [1, 1]} : vector<64x4xf32> to vector<64x1xf32>
    %slice3A_18 = vector.extract_strided_slice %get3A_3 {offsets = [2, 0], sizes = [1, 8192], strides = [1, 1]} : vector<8x8192xf32> to vector<1x8192xf32>
    %sub3A_19 = vector.broadcast %slice3A_17 : vector<64x1xf32> to vector<64x8192xf32>
    %sub3A_20 = vector.broadcast %slice3A_18 : vector<1x8192xf32> to vector<64x8192xf32>
    %sub3A_21 = arith.subf %sub3A_19, %sub3A_20 : vector<64x8192xf32>
    %mul3A = arith.mulf %sub3A_11, %sub3A_11 : vector<64x8192xf32>
    %mul3A_22 = arith.mulf %sub3A_16, %sub3A_16 : vector<64x8192xf32>
    %add3A = arith.addf %mul3A, %mul3A_22 : vector<64x8192xf32>
    %mul3A_23 = arith.mulf %sub3A_21, %sub3A_21 : vector<64x8192xf32>
    %add3A_24 = arith.addf %add3A, %mul3A_23 : vector<64x8192xf32>
    %le3A = arith.constant 4.000000e-02 : f32
    %le3A_25 = vector.broadcast %le3A : f32 to vector<64x8192xf32>
    %le3A_26 = arith.cmpf ole, %add3A_24, %le3A_25 : vector<64x8192xf32>
    %convert_element_type3A = arith.extui %le3A_26 : vector<64x8192xi1> to vector<64x8192xi32>
    %broadcast_in_dim3A = arith.constant 0 : i32
    %broadcast_in_dim3A_27 = vector.broadcast %broadcast_in_dim3A : i32 to vector<64x1xi32>
    %slice3A_28 = vector.extract_strided_slice %convert_element_type3A {offsets = [0, 0], sizes = [64, 8191], strides = [1, 1]} : vector<64x8192xi32> to vector<64x8191xi32>
    %concatenate3A = tpu.concatenate %broadcast_in_dim3A_27, %slice3A_28 in 1 : vector<64x1xi32>, vector<64x8191xi32> -> vector<64x8192xi32>
    %add3A_29 = arith.addi %convert_element_type3A, %concatenate3A : vector<64x8192xi32>
    %broadcast_in_dim3A_30 = arith.constant 0 : i32
    %broadcast_in_dim3A_31 = vector.broadcast %broadcast_in_dim3A_30 : i32 to vector<64x2xi32>
    %slice3A_32 = vector.extract_strided_slice %add3A_29 {offsets = [0, 0], sizes = [64, 8190], strides = [1, 1]} : vector<64x8192xi32> to vector<64x8190xi32>
    %concatenate3A_33 = tpu.concatenate %broadcast_in_dim3A_31, %slice3A_32 in 1 : vector<64x2xi32>, vector<64x8190xi32> -> vector<64x8192xi32>
    %add3A_34 = arith.addi %add3A_29, %concatenate3A_33 : vector<64x8192xi32>
    %broadcast_in_dim3A_35 = arith.constant 0 : i32
    %broadcast_in_dim3A_36 = vector.broadcast %broadcast_in_dim3A_35 : i32 to vector<64x4xi32>
    %slice3A_37 = vector.extract_strided_slice %add3A_34 {offsets = [0, 0], sizes = [64, 8188], strides = [1, 1]} : vector<64x8192xi32> to vector<64x8188xi32>
    %concatenate3A_38 = tpu.concatenate %broadcast_in_dim3A_36, %slice3A_37 in 1 : vector<64x4xi32>, vector<64x8188xi32> -> vector<64x8192xi32>
    %add3A_39 = arith.addi %add3A_34, %concatenate3A_38 : vector<64x8192xi32>
    %broadcast_in_dim3A_40 = arith.constant 0 : i32
    %broadcast_in_dim3A_41 = vector.broadcast %broadcast_in_dim3A_40 : i32 to vector<64x8xi32>
    %slice3A_42 = vector.extract_strided_slice %add3A_39 {offsets = [0, 0], sizes = [64, 8184], strides = [1, 1]} : vector<64x8192xi32> to vector<64x8184xi32>
    %concatenate3A_43 = tpu.concatenate %broadcast_in_dim3A_41, %slice3A_42 in 1 : vector<64x8xi32>, vector<64x8184xi32> -> vector<64x8192xi32>
    %add3A_44 = arith.addi %add3A_39, %concatenate3A_43 : vector<64x8192xi32>
    %broadcast_in_dim3A_45 = arith.constant 0 : i32
    %broadcast_in_dim3A_46 = vector.broadcast %broadcast_in_dim3A_45 : i32 to vector<64x16xi32>
    %slice3A_47 = vector.extract_strided_slice %add3A_44 {offsets = [0, 0], sizes = [64, 8176], strides = [1, 1]} : vector<64x8192xi32> to vector<64x8176xi32>
    %concatenate3A_48 = tpu.concatenate %broadcast_in_dim3A_46, %slice3A_47 in 1 : vector<64x16xi32>, vector<64x8176xi32> -> vector<64x8192xi32>
    %add3A_49 = arith.addi %add3A_44, %concatenate3A_48 : vector<64x8192xi32>
    %broadcast_in_dim3A_50 = arith.constant 0 : i32
    %broadcast_in_dim3A_51 = vector.broadcast %broadcast_in_dim3A_50 : i32 to vector<64x32xi32>
    %slice3A_52 = vector.extract_strided_slice %add3A_49 {offsets = [0, 0], sizes = [64, 8160], strides = [1, 1]} : vector<64x8192xi32> to vector<64x8160xi32>
    %concatenate3A_53 = tpu.concatenate %broadcast_in_dim3A_51, %slice3A_52 in 1 : vector<64x32xi32>, vector<64x8160xi32> -> vector<64x8192xi32>
    %add3A_54 = arith.addi %add3A_49, %concatenate3A_53 : vector<64x8192xi32>
    %broadcast_in_dim3A_55 = arith.constant 0 : i32
    %broadcast_in_dim3A_56 = vector.broadcast %broadcast_in_dim3A_55 : i32 to vector<64x64xi32>
    %slice3A_57 = vector.extract_strided_slice %add3A_54 {offsets = [0, 0], sizes = [64, 8128], strides = [1, 1]} : vector<64x8192xi32> to vector<64x8128xi32>
    %concatenate3A_58 = tpu.concatenate %broadcast_in_dim3A_56, %slice3A_57 in 1 : vector<64x64xi32>, vector<64x8128xi32> -> vector<64x8192xi32>
    %add3A_59 = arith.addi %add3A_54, %concatenate3A_58 : vector<64x8192xi32>
    %broadcast_in_dim3A_60 = arith.constant 0 : i32
    %broadcast_in_dim3A_61 = vector.broadcast %broadcast_in_dim3A_60 : i32 to vector<64x128xi32>
    %slice3A_62 = vector.extract_strided_slice %add3A_59 {offsets = [0, 0], sizes = [64, 8064], strides = [1, 1]} : vector<64x8192xi32> to vector<64x8064xi32>
    %concatenate3A_63 = tpu.concatenate %broadcast_in_dim3A_61, %slice3A_62 in 1 : vector<64x128xi32>, vector<64x8064xi32> -> vector<64x8192xi32>
    %add3A_64 = arith.addi %add3A_59, %concatenate3A_63 : vector<64x8192xi32>
    %broadcast_in_dim3A_65 = arith.constant 0 : i32
    %broadcast_in_dim3A_66 = vector.broadcast %broadcast_in_dim3A_65 : i32 to vector<64x256xi32>
    %slice3A_67 = vector.extract_strided_slice %add3A_64 {offsets = [0, 0], sizes = [64, 7936], strides = [1, 1]} : vector<64x8192xi32> to vector<64x7936xi32>
    %concatenate3A_68 = tpu.concatenate %broadcast_in_dim3A_66, %slice3A_67 in 1 : vector<64x256xi32>, vector<64x7936xi32> -> vector<64x8192xi32>
    %add3A_69 = arith.addi %add3A_64, %concatenate3A_68 : vector<64x8192xi32>
    %broadcast_in_dim3A_70 = arith.constant 0 : i32
    %broadcast_in_dim3A_71 = vector.broadcast %broadcast_in_dim3A_70 : i32 to vector<64x512xi32>
    %slice3A_72 = vector.extract_strided_slice %add3A_69 {offsets = [0, 0], sizes = [64, 7680], strides = [1, 1]} : vector<64x8192xi32> to vector<64x7680xi32>
    %concatenate3A_73 = tpu.concatenate %broadcast_in_dim3A_71, %slice3A_72 in 1 : vector<64x512xi32>, vector<64x7680xi32> -> vector<64x8192xi32>
    %add3A_74 = arith.addi %add3A_69, %concatenate3A_73 : vector<64x8192xi32>
    %broadcast_in_dim3A_75 = arith.constant 0 : i32
    %broadcast_in_dim3A_76 = vector.broadcast %broadcast_in_dim3A_75 : i32 to vector<64x1024xi32>
    %slice3A_77 = vector.extract_strided_slice %add3A_74 {offsets = [0, 0], sizes = [64, 7168], strides = [1, 1]} : vector<64x8192xi32> to vector<64x7168xi32>
    %concatenate3A_78 = tpu.concatenate %broadcast_in_dim3A_76, %slice3A_77 in 1 : vector<64x1024xi32>, vector<64x7168xi32> -> vector<64x8192xi32>
    %add3A_79 = arith.addi %add3A_74, %concatenate3A_78 : vector<64x8192xi32>
    %broadcast_in_dim3A_80 = arith.constant 0 : i32
    %broadcast_in_dim3A_81 = vector.broadcast %broadcast_in_dim3A_80 : i32 to vector<64x2048xi32>
    %slice3A_82 = vector.extract_strided_slice %add3A_79 {offsets = [0, 0], sizes = [64, 6144], strides = [1, 1]} : vector<64x8192xi32> to vector<64x6144xi32>
    %concatenate3A_83 = tpu.concatenate %broadcast_in_dim3A_81, %slice3A_82 in 1 : vector<64x2048xi32>, vector<64x6144xi32> -> vector<64x8192xi32>
    %add3A_84 = arith.addi %add3A_79, %concatenate3A_83 : vector<64x8192xi32>
    %broadcast_in_dim3A_85 = arith.constant 0 : i32
    %broadcast_in_dim3A_86 = vector.broadcast %broadcast_in_dim3A_85 : i32 to vector<64x4096xi32>
    %slice3A_87 = vector.extract_strided_slice %add3A_84 {offsets = [0, 0], sizes = [64, 4096], strides = [1, 1]} : vector<64x8192xi32> to vector<64x4096xi32>
    %concatenate3A_88 = tpu.concatenate %broadcast_in_dim3A_86, %slice3A_87 in 1 : vector<64x4096xi32>, vector<64x4096xi32> -> vector<64x8192xi32>
    %add3A_89 = arith.addi %add3A_84, %concatenate3A_88 : vector<64x8192xi32>
    %le3A_90 = arith.constant 0 : i32
    %le3A_91 = vector.broadcast %le3A_90 : i32 to vector<64x8192xi32>
    %le3A_92 = arith.cmpi sle, %add3A_89, %le3A_91 : vector<64x8192xi32>
    %convert_element_type3A_93 = arith.extui %le3A_92 : vector<64x8192xi1> to vector<64x8192xi32>
    %reduce_sum3A = arith.constant dense<0> : vector<64xi32>
    %reduce_sum3A_94 = vector.multi_reduction <add>, %convert_element_type3A_93, %reduce_sum3A [1] : vector<64x8192xi32> to vector<64xi32>
    %broadcast_in_dim3A_95 = vector.shape_cast %reduce_sum3A_94 : vector<64xi32> to vector<64x1xi32>
    %le3A_96 = arith.constant 1 : i32
    %le3A_97 = vector.broadcast %le3A_96 : i32 to vector<64x8192xi32>
    %le3A_98 = arith.cmpi sle, %add3A_89, %le3A_97 : vector<64x8192xi32>
    %convert_element_type3A_99 = arith.extui %le3A_98 : vector<64x8192xi1> to vector<64x8192xi32>
    %reduce_sum3A_100 = arith.constant dense<0> : vector<64xi32>
    %reduce_sum3A_101 = vector.multi_reduction <add>, %convert_element_type3A_99, %reduce_sum3A_100 [1] : vector<64x8192xi32> to vector<64xi32>
    %broadcast_in_dim3A_102 = vector.shape_cast %reduce_sum3A_101 : vector<64xi32> to vector<64x1xi32>
    %le3A_103 = arith.constant 2 : i32
    %le3A_104 = vector.broadcast %le3A_103 : i32 to vector<64x8192xi32>
    %le3A_105 = arith.cmpi sle, %add3A_89, %le3A_104 : vector<64x8192xi32>
    %convert_element_type3A_106 = arith.extui %le3A_105 : vector<64x8192xi1> to vector<64x8192xi32>
    %reduce_sum3A_107 = arith.constant dense<0> : vector<64xi32>
    %reduce_sum3A_108 = vector.multi_reduction <add>, %convert_element_type3A_106, %reduce_sum3A_107 [1] : vector<64x8192xi32> to vector<64xi32>
    %broadcast_in_dim3A_109 = vector.shape_cast %reduce_sum3A_108 : vector<64xi32> to vector<64x1xi32>
    %le3A_110 = arith.constant 3 : i32
    %le3A_111 = vector.broadcast %le3A_110 : i32 to vector<64x8192xi32>
    %le3A_112 = arith.cmpi sle, %add3A_89, %le3A_111 : vector<64x8192xi32>
    %convert_element_type3A_113 = arith.extui %le3A_112 : vector<64x8192xi1> to vector<64x8192xi32>
    %reduce_sum3A_114 = arith.constant dense<0> : vector<64xi32>
    %reduce_sum3A_115 = vector.multi_reduction <add>, %convert_element_type3A_113, %reduce_sum3A_114 [1] : vector<64x8192xi32> to vector<64xi32>
    %broadcast_in_dim3A_116 = vector.shape_cast %reduce_sum3A_115 : vector<64xi32> to vector<64x1xi32>
    %le3A_117 = arith.constant 4 : i32
    %le3A_118 = vector.broadcast %le3A_117 : i32 to vector<64x8192xi32>
    %le3A_119 = arith.cmpi sle, %add3A_89, %le3A_118 : vector<64x8192xi32>
    %convert_element_type3A_120 = arith.extui %le3A_119 : vector<64x8192xi1> to vector<64x8192xi32>
    %reduce_sum3A_121 = arith.constant dense<0> : vector<64xi32>
    %reduce_sum3A_122 = vector.multi_reduction <add>, %convert_element_type3A_120, %reduce_sum3A_121 [1] : vector<64x8192xi32> to vector<64xi32>
    %broadcast_in_dim3A_123 = vector.shape_cast %reduce_sum3A_122 : vector<64xi32> to vector<64x1xi32>
    %le3A_124 = arith.constant 5 : i32
    %le3A_125 = vector.broadcast %le3A_124 : i32 to vector<64x8192xi32>
    %le3A_126 = arith.cmpi sle, %add3A_89, %le3A_125 : vector<64x8192xi32>
    %convert_element_type3A_127 = arith.extui %le3A_126 : vector<64x8192xi1> to vector<64x8192xi32>
    %reduce_sum3A_128 = arith.constant dense<0> : vector<64xi32>
    %reduce_sum3A_129 = vector.multi_reduction <add>, %convert_element_type3A_127, %reduce_sum3A_128 [1] : vector<64x8192xi32> to vector<64xi32>
    %broadcast_in_dim3A_130 = vector.shape_cast %reduce_sum3A_129 : vector<64xi32> to vector<64x1xi32>
    %le3A_131 = arith.constant 6 : i32
    %le3A_132 = vector.broadcast %le3A_131 : i32 to vector<64x8192xi32>
    %le3A_133 = arith.cmpi sle, %add3A_89, %le3A_132 : vector<64x8192xi32>
    %convert_element_type3A_134 = arith.extui %le3A_133 : vector<64x8192xi1> to vector<64x8192xi32>
    %reduce_sum3A_135 = arith.constant dense<0> : vector<64xi32>
    %reduce_sum3A_136 = vector.multi_reduction <add>, %convert_element_type3A_134, %reduce_sum3A_135 [1] : vector<64x8192xi32> to vector<64xi32>
    %broadcast_in_dim3A_137 = vector.shape_cast %reduce_sum3A_136 : vector<64xi32> to vector<64x1xi32>
    %le3A_138 = arith.constant 7 : i32
    %le3A_139 = vector.broadcast %le3A_138 : i32 to vector<64x8192xi32>
    %le3A_140 = arith.cmpi sle, %add3A_89, %le3A_139 : vector<64x8192xi32>
    %convert_element_type3A_141 = arith.extui %le3A_140 : vector<64x8192xi1> to vector<64x8192xi32>
    %reduce_sum3A_142 = arith.constant dense<0> : vector<64xi32>
    %reduce_sum3A_143 = vector.multi_reduction <add>, %convert_element_type3A_141, %reduce_sum3A_142 [1] : vector<64x8192xi32> to vector<64xi32>
    %broadcast_in_dim3A_144 = vector.shape_cast %reduce_sum3A_143 : vector<64xi32> to vector<64x1xi32>
    %le3A_145 = arith.constant 8 : i32
    %le3A_146 = vector.broadcast %le3A_145 : i32 to vector<64x8192xi32>
    %le3A_147 = arith.cmpi sle, %add3A_89, %le3A_146 : vector<64x8192xi32>
    %convert_element_type3A_148 = arith.extui %le3A_147 : vector<64x8192xi1> to vector<64x8192xi32>
    %reduce_sum3A_149 = arith.constant dense<0> : vector<64xi32>
    %reduce_sum3A_150 = vector.multi_reduction <add>, %convert_element_type3A_148, %reduce_sum3A_149 [1] : vector<64x8192xi32> to vector<64xi32>
    %broadcast_in_dim3A_151 = vector.shape_cast %reduce_sum3A_150 : vector<64xi32> to vector<64x1xi32>
    %le3A_152 = arith.constant 9 : i32
    %le3A_153 = vector.broadcast %le3A_152 : i32 to vector<64x8192xi32>
    %le3A_154 = arith.cmpi sle, %add3A_89, %le3A_153 : vector<64x8192xi32>
    %convert_element_type3A_155 = arith.extui %le3A_154 : vector<64x8192xi1> to vector<64x8192xi32>
    %reduce_sum3A_156 = arith.constant dense<0> : vector<64xi32>
    %reduce_sum3A_157 = vector.multi_reduction <add>, %convert_element_type3A_155, %reduce_sum3A_156 [1] : vector<64x8192xi32> to vector<64xi32>
    %broadcast_in_dim3A_158 = vector.shape_cast %reduce_sum3A_157 : vector<64xi32> to vector<64x1xi32>
    %le3A_159 = arith.constant 10 : i32
    %le3A_160 = vector.broadcast %le3A_159 : i32 to vector<64x8192xi32>
    %le3A_161 = arith.cmpi sle, %add3A_89, %le3A_160 : vector<64x8192xi32>
    %convert_element_type3A_162 = arith.extui %le3A_161 : vector<64x8192xi1> to vector<64x8192xi32>
    %reduce_sum3A_163 = arith.constant dense<0> : vector<64xi32>
    %reduce_sum3A_164 = vector.multi_reduction <add>, %convert_element_type3A_162, %reduce_sum3A_163 [1] : vector<64x8192xi32> to vector<64xi32>
    %broadcast_in_dim3A_165 = vector.shape_cast %reduce_sum3A_164 : vector<64xi32> to vector<64x1xi32>
    %le3A_166 = arith.constant 11 : i32
    %le3A_167 = vector.broadcast %le3A_166 : i32 to vector<64x8192xi32>
    %le3A_168 = arith.cmpi sle, %add3A_89, %le3A_167 : vector<64x8192xi32>
    %convert_element_type3A_169 = arith.extui %le3A_168 : vector<64x8192xi1> to vector<64x8192xi32>
    %reduce_sum3A_170 = arith.constant dense<0> : vector<64xi32>
    %reduce_sum3A_171 = vector.multi_reduction <add>, %convert_element_type3A_169, %reduce_sum3A_170 [1] : vector<64x8192xi32> to vector<64xi32>
    %broadcast_in_dim3A_172 = vector.shape_cast %reduce_sum3A_171 : vector<64xi32> to vector<64x1xi32>
    %le3A_173 = arith.constant 12 : i32
    %le3A_174 = vector.broadcast %le3A_173 : i32 to vector<64x8192xi32>
    %le3A_175 = arith.cmpi sle, %add3A_89, %le3A_174 : vector<64x8192xi32>
    %convert_element_type3A_176 = arith.extui %le3A_175 : vector<64x8192xi1> to vector<64x8192xi32>
    %reduce_sum3A_177 = arith.constant dense<0> : vector<64xi32>
    %reduce_sum3A_178 = vector.multi_reduction <add>, %convert_element_type3A_176, %reduce_sum3A_177 [1] : vector<64x8192xi32> to vector<64xi32>
    %broadcast_in_dim3A_179 = vector.shape_cast %reduce_sum3A_178 : vector<64xi32> to vector<64x1xi32>
    %le3A_180 = arith.constant 13 : i32
    %le3A_181 = vector.broadcast %le3A_180 : i32 to vector<64x8192xi32>
    %le3A_182 = arith.cmpi sle, %add3A_89, %le3A_181 : vector<64x8192xi32>
    %convert_element_type3A_183 = arith.extui %le3A_182 : vector<64x8192xi1> to vector<64x8192xi32>
    %reduce_sum3A_184 = arith.constant dense<0> : vector<64xi32>
    %reduce_sum3A_185 = vector.multi_reduction <add>, %convert_element_type3A_183, %reduce_sum3A_184 [1] : vector<64x8192xi32> to vector<64xi32>
    %broadcast_in_dim3A_186 = vector.shape_cast %reduce_sum3A_185 : vector<64xi32> to vector<64x1xi32>
    %le3A_187 = arith.constant 14 : i32
    %le3A_188 = vector.broadcast %le3A_187 : i32 to vector<64x8192xi32>
    %le3A_189 = arith.cmpi sle, %add3A_89, %le3A_188 : vector<64x8192xi32>
    %convert_element_type3A_190 = arith.extui %le3A_189 : vector<64x8192xi1> to vector<64x8192xi32>
    %reduce_sum3A_191 = arith.constant dense<0> : vector<64xi32>
    %reduce_sum3A_192 = vector.multi_reduction <add>, %convert_element_type3A_190, %reduce_sum3A_191 [1] : vector<64x8192xi32> to vector<64xi32>
    %broadcast_in_dim3A_193 = vector.shape_cast %reduce_sum3A_192 : vector<64xi32> to vector<64x1xi32>
    %le3A_194 = arith.constant 15 : i32
    %le3A_195 = vector.broadcast %le3A_194 : i32 to vector<64x8192xi32>
    %le3A_196 = arith.cmpi sle, %add3A_89, %le3A_195 : vector<64x8192xi32>
    %convert_element_type3A_197 = arith.extui %le3A_196 : vector<64x8192xi1> to vector<64x8192xi32>
    %reduce_sum3A_198 = arith.constant dense<0> : vector<64xi32>
    %reduce_sum3A_199 = vector.multi_reduction <add>, %convert_element_type3A_197, %reduce_sum3A_198 [1] : vector<64x8192xi32> to vector<64xi32>
    %broadcast_in_dim3A_200 = vector.shape_cast %reduce_sum3A_199 : vector<64xi32> to vector<64x1xi32>
    %le3A_201 = arith.constant 16 : i32
    %le3A_202 = vector.broadcast %le3A_201 : i32 to vector<64x8192xi32>
    %le3A_203 = arith.cmpi sle, %add3A_89, %le3A_202 : vector<64x8192xi32>
    %convert_element_type3A_204 = arith.extui %le3A_203 : vector<64x8192xi1> to vector<64x8192xi32>
    %reduce_sum3A_205 = arith.constant dense<0> : vector<64xi32>
    %reduce_sum3A_206 = vector.multi_reduction <add>, %convert_element_type3A_204, %reduce_sum3A_205 [1] : vector<64x8192xi32> to vector<64xi32>
    %broadcast_in_dim3A_207 = vector.shape_cast %reduce_sum3A_206 : vector<64xi32> to vector<64x1xi32>
    %le3A_208 = arith.constant 17 : i32
    %le3A_209 = vector.broadcast %le3A_208 : i32 to vector<64x8192xi32>
    %le3A_210 = arith.cmpi sle, %add3A_89, %le3A_209 : vector<64x8192xi32>
    %convert_element_type3A_211 = arith.extui %le3A_210 : vector<64x8192xi1> to vector<64x8192xi32>
    %reduce_sum3A_212 = arith.constant dense<0> : vector<64xi32>
    %reduce_sum3A_213 = vector.multi_reduction <add>, %convert_element_type3A_211, %reduce_sum3A_212 [1] : vector<64x8192xi32> to vector<64xi32>
    %broadcast_in_dim3A_214 = vector.shape_cast %reduce_sum3A_213 : vector<64xi32> to vector<64x1xi32>
    %le3A_215 = arith.constant 18 : i32
    %le3A_216 = vector.broadcast %le3A_215 : i32 to vector<64x8192xi32>
    %le3A_217 = arith.cmpi sle, %add3A_89, %le3A_216 : vector<64x8192xi32>
    %convert_element_type3A_218 = arith.extui %le3A_217 : vector<64x8192xi1> to vector<64x8192xi32>
    %reduce_sum3A_219 = arith.constant dense<0> : vector<64xi32>
    %reduce_sum3A_220 = vector.multi_reduction <add>, %convert_element_type3A_218, %reduce_sum3A_219 [1] : vector<64x8192xi32> to vector<64xi32>
    %broadcast_in_dim3A_221 = vector.shape_cast %reduce_sum3A_220 : vector<64xi32> to vector<64x1xi32>
    %le3A_222 = arith.constant 19 : i32
    %le3A_223 = vector.broadcast %le3A_222 : i32 to vector<64x8192xi32>
    %le3A_224 = arith.cmpi sle, %add3A_89, %le3A_223 : vector<64x8192xi32>
    %convert_element_type3A_225 = arith.extui %le3A_224 : vector<64x8192xi1> to vector<64x8192xi32>
    %reduce_sum3A_226 = arith.constant dense<0> : vector<64xi32>
    %reduce_sum3A_227 = vector.multi_reduction <add>, %convert_element_type3A_225, %reduce_sum3A_226 [1] : vector<64x8192xi32> to vector<64xi32>
    %broadcast_in_dim3A_228 = vector.shape_cast %reduce_sum3A_227 : vector<64xi32> to vector<64x1xi32>
    %le3A_229 = arith.constant 20 : i32
    %le3A_230 = vector.broadcast %le3A_229 : i32 to vector<64x8192xi32>
    %le3A_231 = arith.cmpi sle, %add3A_89, %le3A_230 : vector<64x8192xi32>
    %convert_element_type3A_232 = arith.extui %le3A_231 : vector<64x8192xi1> to vector<64x8192xi32>
    %reduce_sum3A_233 = arith.constant dense<0> : vector<64xi32>
    %reduce_sum3A_234 = vector.multi_reduction <add>, %convert_element_type3A_232, %reduce_sum3A_233 [1] : vector<64x8192xi32> to vector<64xi32>
    %broadcast_in_dim3A_235 = vector.shape_cast %reduce_sum3A_234 : vector<64xi32> to vector<64x1xi32>
    %le3A_236 = arith.constant 21 : i32
    %le3A_237 = vector.broadcast %le3A_236 : i32 to vector<64x8192xi32>
    %le3A_238 = arith.cmpi sle, %add3A_89, %le3A_237 : vector<64x8192xi32>
    %convert_element_type3A_239 = arith.extui %le3A_238 : vector<64x8192xi1> to vector<64x8192xi32>
    %reduce_sum3A_240 = arith.constant dense<0> : vector<64xi32>
    %reduce_sum3A_241 = vector.multi_reduction <add>, %convert_element_type3A_239, %reduce_sum3A_240 [1] : vector<64x8192xi32> to vector<64xi32>
    %broadcast_in_dim3A_242 = vector.shape_cast %reduce_sum3A_241 : vector<64xi32> to vector<64x1xi32>
    %le3A_243 = arith.constant 22 : i32
    %le3A_244 = vector.broadcast %le3A_243 : i32 to vector<64x8192xi32>
    %le3A_245 = arith.cmpi sle, %add3A_89, %le3A_244 : vector<64x8192xi32>
    %convert_element_type3A_246 = arith.extui %le3A_245 : vector<64x8192xi1> to vector<64x8192xi32>
    %reduce_sum3A_247 = arith.constant dense<0> : vector<64xi32>
    %reduce_sum3A_248 = vector.multi_reduction <add>, %convert_element_type3A_246, %reduce_sum3A_247 [1] : vector<64x8192xi32> to vector<64xi32>
    %broadcast_in_dim3A_249 = vector.shape_cast %reduce_sum3A_248 : vector<64xi32> to vector<64x1xi32>
    %le3A_250 = arith.constant 23 : i32
    %le3A_251 = vector.broadcast %le3A_250 : i32 to vector<64x8192xi32>
    %le3A_252 = arith.cmpi sle, %add3A_89, %le3A_251 : vector<64x8192xi32>
    %convert_element_type3A_253 = arith.extui %le3A_252 : vector<64x8192xi1> to vector<64x8192xi32>
    %reduce_sum3A_254 = arith.constant dense<0> : vector<64xi32>
    %reduce_sum3A_255 = vector.multi_reduction <add>, %convert_element_type3A_253, %reduce_sum3A_254 [1] : vector<64x8192xi32> to vector<64xi32>
    %broadcast_in_dim3A_256 = vector.shape_cast %reduce_sum3A_255 : vector<64xi32> to vector<64x1xi32>
    %le3A_257 = arith.constant 24 : i32
    %le3A_258 = vector.broadcast %le3A_257 : i32 to vector<64x8192xi32>
    %le3A_259 = arith.cmpi sle, %add3A_89, %le3A_258 : vector<64x8192xi32>
    %convert_element_type3A_260 = arith.extui %le3A_259 : vector<64x8192xi1> to vector<64x8192xi32>
    %reduce_sum3A_261 = arith.constant dense<0> : vector<64xi32>
    %reduce_sum3A_262 = vector.multi_reduction <add>, %convert_element_type3A_260, %reduce_sum3A_261 [1] : vector<64x8192xi32> to vector<64xi32>
    %broadcast_in_dim3A_263 = vector.shape_cast %reduce_sum3A_262 : vector<64xi32> to vector<64x1xi32>
    %le3A_264 = arith.constant 25 : i32
    %le3A_265 = vector.broadcast %le3A_264 : i32 to vector<64x8192xi32>
    %le3A_266 = arith.cmpi sle, %add3A_89, %le3A_265 : vector<64x8192xi32>
    %convert_element_type3A_267 = arith.extui %le3A_266 : vector<64x8192xi1> to vector<64x8192xi32>
    %reduce_sum3A_268 = arith.constant dense<0> : vector<64xi32>
    %reduce_sum3A_269 = vector.multi_reduction <add>, %convert_element_type3A_267, %reduce_sum3A_268 [1] : vector<64x8192xi32> to vector<64xi32>
    %broadcast_in_dim3A_270 = vector.shape_cast %reduce_sum3A_269 : vector<64xi32> to vector<64x1xi32>
    %le3A_271 = arith.constant 26 : i32
    %le3A_272 = vector.broadcast %le3A_271 : i32 to vector<64x8192xi32>
    %le3A_273 = arith.cmpi sle, %add3A_89, %le3A_272 : vector<64x8192xi32>
    %convert_element_type3A_274 = arith.extui %le3A_273 : vector<64x8192xi1> to vector<64x8192xi32>
    %reduce_sum3A_275 = arith.constant dense<0> : vector<64xi32>
    %reduce_sum3A_276 = vector.multi_reduction <add>, %convert_element_type3A_274, %reduce_sum3A_275 [1] : vector<64x8192xi32> to vector<64xi32>
    %broadcast_in_dim3A_277 = vector.shape_cast %reduce_sum3A_276 : vector<64xi32> to vector<64x1xi32>
    %le3A_278 = arith.constant 27 : i32
    %le3A_279 = vector.broadcast %le3A_278 : i32 to vector<64x8192xi32>
    %le3A_280 = arith.cmpi sle, %add3A_89, %le3A_279 : vector<64x8192xi32>
    %convert_element_type3A_281 = arith.extui %le3A_280 : vector<64x8192xi1> to vector<64x8192xi32>
    %reduce_sum3A_282 = arith.constant dense<0> : vector<64xi32>
    %reduce_sum3A_283 = vector.multi_reduction <add>, %convert_element_type3A_281, %reduce_sum3A_282 [1] : vector<64x8192xi32> to vector<64xi32>
    %broadcast_in_dim3A_284 = vector.shape_cast %reduce_sum3A_283 : vector<64xi32> to vector<64x1xi32>
    %le3A_285 = arith.constant 28 : i32
    %le3A_286 = vector.broadcast %le3A_285 : i32 to vector<64x8192xi32>
    %le3A_287 = arith.cmpi sle, %add3A_89, %le3A_286 : vector<64x8192xi32>
    %convert_element_type3A_288 = arith.extui %le3A_287 : vector<64x8192xi1> to vector<64x8192xi32>
    %reduce_sum3A_289 = arith.constant dense<0> : vector<64xi32>
    %reduce_sum3A_290 = vector.multi_reduction <add>, %convert_element_type3A_288, %reduce_sum3A_289 [1] : vector<64x8192xi32> to vector<64xi32>
    %broadcast_in_dim3A_291 = vector.shape_cast %reduce_sum3A_290 : vector<64xi32> to vector<64x1xi32>
    %le3A_292 = arith.constant 29 : i32
    %le3A_293 = vector.broadcast %le3A_292 : i32 to vector<64x8192xi32>
    %le3A_294 = arith.cmpi sle, %add3A_89, %le3A_293 : vector<64x8192xi32>
    %convert_element_type3A_295 = arith.extui %le3A_294 : vector<64x8192xi1> to vector<64x8192xi32>
    %reduce_sum3A_296 = arith.constant dense<0> : vector<64xi32>
    %reduce_sum3A_297 = vector.multi_reduction <add>, %convert_element_type3A_295, %reduce_sum3A_296 [1] : vector<64x8192xi32> to vector<64xi32>
    %broadcast_in_dim3A_298 = vector.shape_cast %reduce_sum3A_297 : vector<64xi32> to vector<64x1xi32>
    %le3A_299 = arith.constant 30 : i32
    %le3A_300 = vector.broadcast %le3A_299 : i32 to vector<64x8192xi32>
    %le3A_301 = arith.cmpi sle, %add3A_89, %le3A_300 : vector<64x8192xi32>
    %convert_element_type3A_302 = arith.extui %le3A_301 : vector<64x8192xi1> to vector<64x8192xi32>
    %reduce_sum3A_303 = arith.constant dense<0> : vector<64xi32>
    %reduce_sum3A_304 = vector.multi_reduction <add>, %convert_element_type3A_302, %reduce_sum3A_303 [1] : vector<64x8192xi32> to vector<64xi32>
    %broadcast_in_dim3A_305 = vector.shape_cast %reduce_sum3A_304 : vector<64xi32> to vector<64x1xi32>
    %le3A_306 = arith.constant 31 : i32
    %le3A_307 = vector.broadcast %le3A_306 : i32 to vector<64x8192xi32>
    %le3A_308 = arith.cmpi sle, %add3A_89, %le3A_307 : vector<64x8192xi32>
    %convert_element_type3A_309 = arith.extui %le3A_308 : vector<64x8192xi1> to vector<64x8192xi32>
    %reduce_sum3A_310 = arith.constant dense<0> : vector<64xi32>
    %reduce_sum3A_311 = vector.multi_reduction <add>, %convert_element_type3A_309, %reduce_sum3A_310 [1] : vector<64x8192xi32> to vector<64xi32>
    %broadcast_in_dim3A_312 = vector.shape_cast %reduce_sum3A_311 : vector<64xi32> to vector<64x1xi32>
    %concatenate3A_313 = tpu.concatenate %broadcast_in_dim3A_95, %broadcast_in_dim3A_102, %broadcast_in_dim3A_109, %broadcast_in_dim3A_116, %broadcast_in_dim3A_123, %broadcast_in_dim3A_130, %broadcast_in_dim3A_137, %broadcast_in_dim3A_144, %broadcast_in_dim3A_151, %broadcast_in_dim3A_158, %broadcast_in_dim3A_165, %broadcast_in_dim3A_172, %broadcast_in_dim3A_179, %broadcast_in_dim3A_186, %broadcast_in_dim3A_193, %broadcast_in_dim3A_200, %broadcast_in_dim3A_207, %broadcast_in_dim3A_214, %broadcast_in_dim3A_221, %broadcast_in_dim3A_228, %broadcast_in_dim3A_235, %broadcast_in_dim3A_242, %broadcast_in_dim3A_249, %broadcast_in_dim3A_256, %broadcast_in_dim3A_263, %broadcast_in_dim3A_270, %broadcast_in_dim3A_277, %broadcast_in_dim3A_284, %broadcast_in_dim3A_291, %broadcast_in_dim3A_298, %broadcast_in_dim3A_305, %broadcast_in_dim3A_312 in 1 : vector<64x1xi32>, vector<64x1xi32>, vector<64x1xi32>, vector<64x1xi32>, vector<64x1xi32>, vector<64x1xi32>, vector<64x1xi32>, vector<64x1xi32>, vector<64x1xi32>, vector<64x1xi32>, vector<64x1xi32>, vector<64x1xi32>, vector<64x1xi32>, vector<64x1xi32>, vector<64x1xi32>, vector<64x1xi32>, vector<64x1xi32>, vector<64x1xi32>, vector<64x1xi32>, vector<64x1xi32>, vector<64x1xi32>, vector<64x1xi32>, vector<64x1xi32>, vector<64x1xi32>, vector<64x1xi32>, vector<64x1xi32>, vector<64x1xi32>, vector<64x1xi32>, vector<64x1xi32>, vector<64x1xi32>, vector<64x1xi32>, vector<64x1xi32> -> vector<64x32xi32>
    %slice3A_314 = vector.extract_strided_slice %concatenate3A_313 {offsets = [0, 0], sizes = [64, 1], strides = [1, 1]} : vector<64x32xi32> to vector<64x1xi32>
    %ge3A = arith.constant 8192 : i32
    %ge3A_315 = vector.broadcast %ge3A : i32 to vector<64x32xi32>
    %ge3A_316 = arith.cmpi sge, %concatenate3A_313, %ge3A_315 : vector<64x32xi32>
    %broadcast_in_dim3A_317 = vector.shape_cast %slice3A_314 : vector<64x1xi32> to vector<64x1xi32>
    %broadcast_in_dim3A_318 = vector.broadcast %broadcast_in_dim3A_317 : vector<64x1xi32> to vector<64x32xi32>
    %select_n3A = arith.select %ge3A_316, %broadcast_in_dim3A_318, %concatenate3A_313 : vector<64x32xi1>, vector<64x32xi32>
    %swap3A = arith.constant 0 : index
    %swap3A_319 = arith.constant 0 : index
    %swap3A_320 = arith.constant 0 : index
    %swap3A_321 = vector.load %arg4[%swap3A, %swap3A_319, %swap3A_320] : memref<1x64x32xi32, #tpu.memory_space<vmem>>, vector<1x64x32xi32>
    %swap3A_322 = vector.shape_cast %swap3A_321 : vector<1x64x32xi32> to vector<64x32xi32>
    %swap3A_323 = vector.shape_cast %select_n3A : vector<64x32xi32> to vector<1x64x32xi32>
    tpu.vector_store %arg4[%swap3A, %swap3A_319, %swap3A_320], %swap3A_323 {strides = array<i32>} : memref<1x64x32xi32, #tpu.memory_space<vmem>>, vector<1x64x32xi32>,
    return
  }
  func.func @transform_0(%arg0: i32, %arg1: i32) -> (i32, i32, i32) {
    %c0_i32 = arith.constant 0 : i32
    %c0_i32_0 = arith.constant 0 : i32
    %c0_i32_1 = arith.constant 0 : i32
    return %arg0, %c0_i32, %c0_i32_0 : i32, i32, i32
  }
  func.func @transform_1(%arg0: i32, %arg1: i32) -> (i32, i32, i32) {
    %c0_i32 = arith.constant 0 : i32
    %c0_i32_0 = arith.constant 0 : i32
    return %arg0, %arg1, %c0_i32 : i32, i32, i32
  }
  func.func @transform_2(%arg0: i32, %arg1: i32) -> (i32, i32, i32) {
    %c0_i32 = arith.constant 0 : i32
    %c0_i32_0 = arith.constant 0 : i32
    return %arg0, %arg1, %c0_i32 : i32, i32, i32
  }
}

</mosaic_0001>

<sc_bundles>
// kernel: kernel.5.cloned.1.call-start
scs
__scs_entry_jumppad:
0x0: {  	(pc) =	sbr.rel $0x88, $3  }
0x1: {  	(tag) =	ssettag $0x0;
	lr =	simm.s32 $0x1  }
0x2: {  	[smem:$0x3F9F] =	sst lr;
	_ =	strace $0xD0000000  }
0x3: {  	_ = 	snop  }
0x4: {  	_ = 	snop  }
0x5: {  	_ = 	snop  }
0x6: {  	_ = 	snop  }
0x7: {  	_ = 	snop  }
__scs_overlays_trampoline_lowered:
0x8: {  	[smem:$0x3FAE] =	sst s0  }
0x9: {  	[smem:$0x3FAF] =	sst s1  }
0xa: {  	[smem:$0x3FB0] =	sst s2  }
0xb: {  	[smem:$0x3FB1] =	sst s3  }
0xc: {  	[smem:$0x3FB2] =	sst s4  }
0xd: {  	[smem:$0x3FB3] =	sst s5  }
0xe: {  	[smem:$0x3FB4] =	sst s6  }
0xf: {  	[smem:$0x3FB5] =	sst s7  }
0x10: {  	[smem:$0x3FB6] =	sst s8  }
0x11: {  	[smem:$0x3FB7] =	sst s9;
	s0 =	simm.s32 @!p0 $0x0  }
0x12: {  	s1 =	sld [smem:$0x3F9D];
	s0 =	simm.s32 @p0 $0x1  }
0x13: {  	[smem:$0x3FB8] =	sst s0;
	s0 =	simm.s32 @!p1 $0x0  }
0x14: {  	s2 =	sld [smem:$0x3F9C];
	s0 =	simm.s32 @p1 $0x1  }
0x15: {  	[smem:$0x3FB9] =	sst s0;
	s0 =	simm.s32 @!p2 $0x0  }
0x16: {  	s3 =	sld [smem:$0x3FDB];
	s0 =	simm.s32 @p2 $0x1  }
0x17: {  	s4 =	simm.s32 $0x1BF5;
	[smem:$0x3FBB] =	sst s0  }
0x18: {  	s0 =	sld [smem:$0x3F9E];
	_ =	swait.ge [sflag:s4], $0x0  }
0x19: {  	s7 =	sld [smem:$0x3F9F]  }
0x1a: {  	s8 =	sadd.s32 $0xFFFFE003, lr  }
0x1b: {  	s9 =	sadd.s32 $0xFFFFFEF7, lr;
	s5 =	simm.s32 $0xFFFFFFFF;
	p2 =	slt.u32 s8, $0xFFFFF086  }
0x1c: {  	p1 =	slt.u32 s9, $0xF7A;
	s5 =	simm.s32 @!p2 $0x0  }
0x1d: {  	s5 =	simm.s32 @p1 $0x1;
	p0 =	seq.s32 s7, s2  }
0x1e: {  	s7 =	smul.u32 @!p0 $0xF7A, s2;
	p2 =	seq.s32 @!p0 s5, $0x0  }
0x1f: {  	s9 =	smul.u32 $0xF7A, s1;
	s8 =	simm.s32 @!p0 $0x1BF5;
	p2 =	por !p2, p0  }
0x20: {  	[sflag:s8] =	ssyncset.s32 @!p0 $0xFFFFF086;
	s6 =	sadd.s32 @!p0 s3, s7;
	s7 =	simm.s32 @!p0 $0x108  }
0x21: {  	s3 =	sadd.s32 s3, s9;
	s6 =	sadd.s32 @!p0 $0x88, s6;
	s7 =	simm.s32 @p2 $0x1082  }
0x22: {  	[simem:s7], [sflag:s8] =	dma.local @!p0 [hbm:s6], $0xF7A  }
0x23: {  	s9 =	sor.u32 $0xD0000000, s2;
	s6 =	simm.s32 $0x108;
	_ =	swait.ge @!p0 [sflag:s8], $0x0  }
0x24: {  	s3 =	sadd.s32 $0x88, s3;
	s6 =	simm.s32 @!p1 $0x1082;
	[sflag:s4] =	ssyncset.s32 $0xFFFFF086  }
0x25: {  	[simem:s6], [sflag:s4] =	dma.local [hbm:s3], $0xF7A  }
0x26: {  	[smem:$0x3F9F] =	sst s1;
	(tag) =	ssettag s2;
	_ =	strace s9  }
0x27: {  	s1 =	sld [smem:$0x3FAF]  }
0x28: {  	s2 =	sld [smem:$0x3FB0]  }
0x29: {  	s4 =	sld [smem:$0x3FB2]  }
0x2a: {  	p0 =	seq.s32 s5, $0x0;
	s5 =	sld [smem:$0x3FB3]  }
0x2b: {  	s6 =	sld [smem:$0x3FB4]  }
0x2c: {  	s7 =	sld [smem:$0x3FB5]  }
0x2d: {  	s3 =	simm.s32 $0x108;
	s8 =	sld [smem:$0x3FB6]  }
0x2e: {  	s3 =	simm.s32 @!p0 $0x1082;
	s9 =	sld [smem:$0x3FB7]  }
0x2f: {  	lr =	sadd.s32 s0, s3;
	s0 =	sld [smem:$0x3FAE]  }
0x30: {  	s3 =	sld [smem:$0x3FB1]  }
0x31: {  	[smem:$0x3FBA] =	sst s10  }
0x32: {  	s10 =	sld [smem:$0x3FB8];
	_ =	sdelay $0x3  }
0x33: {  	p0 =	seq.s32 s10, $0x1;
	s10 =	sld [smem:$0x3FBA];
	_ =	sdelay $0x3  }
0x34: {  	[smem:$0x3FBA] =	sst s10  }
0x35: {  	s10 =	sld [smem:$0x3FB9];
	_ =	sdelay $0x3  }
0x36: {  	p1 =	seq.s32 s10, $0x1;
	s10 =	sld [smem:$0x3FBA];
	_ =	sdelay $0x3  }
0x37: {  	[smem:$0x3FBA] =	sst s10  }
0x38: {  	s10 =	sld [smem:$0x3FBB]  }
0x39: {  	_ = 	snop;
	(pc) =	sbr.ind lr, $3  }
0x3a: {  	_ = 	snop  }
0x3b: {  	_ = 	snop  }
0x3c: {  	p2 =	seq.s32 s10, $0x1;
	s10 =	sld [smem:$0x3FBA]  }
0x3d: {  	_ =	shalt  }
0x3e: {  	_ =	shalt  }
0x3f: {  	_ =	shalt  }
0x40: {  	_ =	shalt  }
0x41: {  	_ =	shalt  }
0x42: {  	_ =	shalt  }
0x43: {  	_ =	shalt  }
0x44: {  	_ =	shalt  }
0x45: {  	_ =	shalt  }
0x46: {  	_ =	shalt  }
0x47: {  	_ =	shalt  }
0x48: {  	_ =	shalt  }
0x49: {  	_ =	shalt  }
0x4a: {  	_ =	shalt  }
0x4b: {  	_ =	shalt  }
0x4c: {  	_ =	shalt  }
0x4d: {  	_ =	shalt  }
0x4e: {  	_ =	shalt  }
0x4f: {  	_ =	shalt  }
0x50: {  	_ =	shalt  }
0x51: {  	_ =	shalt  }
0x52: {  	_ =	shalt  }
0x53: {  	_ =	shalt  }
0x54: {  	_ =	shalt  }
0x55: {  	_ =	shalt  }
0x56: {  	_ =	shalt  }
0x57: {  	_ =	shalt  }
0x58: {  	_ =	shalt  }
0x59: {  	_ =	shalt  }
0x5a: {  	_ =	shalt  }
0x5b: {  	_ =	shalt  }
0x5c: {  	_ =	shalt  }
0x5d: {  	_ =	shalt  }
0x5e: {  	_ =	shalt  }
0x5f: {  	_ =	shalt  }
0x60: {  	_ =	shalt  }
0x61: {  	_ =	shalt  }
0x62: {  	_ =	shalt  }
0x63: {  	_ =	shalt  }
0x64: {  	_ =	shalt  }
0x65: {  	_ =	shalt  }
0x66: {  	_ =	shalt  }
0x67: {  	_ =	shalt  }
0x68: {  	_ =	shalt  }
0x69: {  	_ =	shalt  }
0x6a: {  	_ =	shalt  }
0x6b: {  	_ =	shalt  }
0x6c: {  	_ =	shalt  }
0x6d: {  	_ =	shalt  }
0x6e: {  	_ =	shalt  }
0x6f: {  	_ =	shalt  }
0x70: {  	_ =	shalt  }
0x71: {  	_ =	shalt  }
0x72: {  	_ =	shalt  }
0x73: {  	_ =	shalt  }
0x74: {  	_ =	shalt  }
0x75: {  	_ =	shalt  }
0x76: {  	_ =	shalt  }
0x77: {  	_ =	shalt  }
0x78: {  	_ =	shalt  }
0x79: {  	_ =	shalt  }
0x7a: {  	_ =	shalt  }
0x7b: {  	_ =	shalt  }
0x7c: {  	_ =	shalt  }
0x7d: {  	_ =	shalt  }
0x7e: {  	_ =	shalt  }
0x7f: {  	_ =	shalt  }
0x80: {  	_ =	shalt  }
0x81: {  	_ =	shalt  }
0x82: {  	_ =	shalt  }
0x83: {  	_ =	shalt  }
0x84: {  	_ =	shalt  }
0x85: {  	_ =	shalt  }
0x86: {  	_ =	shalt  }
0x87: {  	_ =	shalt  }
.Lfunc_end0:
.L_simem_size_0:
called_computation.1_lowered:
.L_overlay_start_0:
0x88: {  	s2 =	sld [smem:$0x3FD9]  }
0x89: {  	s3 =	sld [smem:$0x3FFE];
	_ =	sdelay $0x1  }
0x8a: {  	s1 =	srdreg.scid  }
0x8b: {  	s0 =	sand.u32 $0x1, s1  }
0x8c: {  	s14 =	sshll.u32 s0, $0xA;
	s2 =	sadd.s32 s3, s2  }
0x8d: {  	s2 =	sadd.s32 s2, s14  }
0x8e: {  	[smem:$0x3FC6] =	sst s2  }
0x8f: {  	_ = 	snop  }
0x90: {  	s2 =	sld [smem:$0x3FD0];
	_ =	sdelay $0x2  }
0x91: {  	s15 =	simm.s32 $0xA;
	s4 =	simm.s32 $0x10  }
0x92: {  	[smem:s4], [sflag:s15] =	dma.local [hbm:s2], $0x1  }
0x93: {  	_ =	swait.eq [sflag:s15], $0x1  }
0x94: {  	[sflag:s15] =	ssyncset.done $0x0  }
0x95: {  	s16 =	sld [smem:$0x12];
	[sflag:s15] =	ssyncadd.s32 $0xFFFFFFFF  }
0x96: {  	s17 =	sld [smem:$0x13];
	(tm) =	ssettm $0x1  }
0x97: {  	s18 =	sld [smem:$0x3FFB];
	_ =	sdelay $0x3  }
0x98: {  	_ =	strace s18  }
0x99: {  	s4 =	sld [smem:$0x3FFC];
	_ =	sdelay $0x3  }
0x9a: {  	_ =	strace s4  }
0x9b: {  	s4 =	sld [smem:$0x3FFD];
	_ =	sdelay $0x3  }
0x9c: {  	_ =	strace s4  }
0x9d: {  	_ =	strace $0x8FFFFFFF  }
0x9e: {  	s19 =	sld [smem:$0x3FDB];
	_ =	sdelay $0x1  }
0x9f: {  	s5 =	simm.s32 $_scs_section_size  }
0xa0: {  	s6 =	simm.s32 $_size__tile_overlayer_lowered;
	s7 =	simm.s32 $_tile_overlayer_lowered  }
0xa1: {  	s22 =	simm.s32 $0x1BFF;
	s21 =	sshll.u32 s7, $0x1;
	s4 =	sadd.s32 s5, s19  }
0xa2: {  	s8 =	simm.s32 $0x0;
	s20 =	sshll.u32 s6, $0x1;
	s6 =	sadd.s32 s21, s4  }
0xa3: {  	[timem:s8], [sflag:s22] =	dma.local [hbm:s6], s20  }
0xa4: {  	_ =	swait.ge [sflag:s22], s20  }
0xa5: {  	s5 =	ssub.s32 $0x0, s20;
	[sflag:s22] =	ssyncset.done $0x0  }
0xa6: {  	[sflag:s22] =	ssyncadd.s32 s5;
	_ =	sdelay $0x1  }
0xa7: {  	s23 =	simm.s32 $0x1B8B  }
0xa8: {  	_ =	swait.ge [sflag:s23], $0x1  }
0xa9: {  	[sflag:s23] =	ssyncset.done $0x0  }
0xaa: {  	s25 =	simm.s32 $0x1B8E;
	s24 =	sld [smem:$0x3FFE];
	[sflag:s23] =	ssyncadd.s32 $0xFFFFFFFF  }
0xab: {  	s26 =	simm.s32 $execute0_lowered;
	[smem:$0x3FD2] =	sst s25  }
0xac: {  	s6 =	sshll.u32 s26, $0x1;
	_ =	strace $0x80000046;
	[dreg:$0x1] =	wrdreg $0xFFFFFFFF  }
0xad: {  	s28 =	simm.s32 $_size_execute0_lowered;
	s4 =	sadd.s32 s4, s6;
	[dreg:$0x0] =	wrdreg $0x0  }
0xae: {  	s6 =	sshll.u32 s28, $0x1;
	[dreg:$0x2] =	wrdreg s4  }
0xaf: {  	[dreg:$0x3] =	wrdreg s6  }
0xb0: {  	[dreg:$0x4] =	wrdreg $0xC0  }
0xb1: {  	_ =	task [dreg:s8], $0x5FFFF  }
0xb2: {  	[dreg:$0x1] =	wrdreg $0xFFFFFFFF  }
0xb3: {  	[dreg:$0x0] =	wrdreg $0x60  }
0xb4: {  	[dreg:$0x2] =	wrdreg s17  }
0xb5: {  	[dreg:$0x3] =	wrdreg s16  }
0xb6: {  	[dreg:$0x4] =	wrdreg s24  }
0xb7: {  	[dreg:$0x5] =	wrdreg $0x9  }
0xb8: {  	_ =	task.clear_ibuf [dreg:s8], $0x6FFFF;
	_ =	strace $0x90000046  }
0xb9: {  	s29 =	simm.s32 $0x9;
	_ =	strace $0x80000048  }
0xba: {  	_ =	swait.ge [sflag:s29], $0x1  }
0xbb: {  	[sflag:s29] =	ssyncadd.s32 $0xFFFFFFFF  }
0xbc: {  	_ =	strace $0x90000048  }
0xbd: {  	_ =	sfence  }
0xbe: {  	s30 =	sld [smem:$0x0];
	_ =	sdelay $0x2  }
0xbf: {  	s31 =	sshll.u32 s1, $0xD;
	s1 =	sshrl.u32 s1, $0x2  }
0xc0: {  	s3 =	sand.u32 $0x4000, s31;
	s1 =	sadd.s32 s1, s30  }
0xc1: {  	s0 =	sor.u32 s3, s0;
	s1 =	sshll.u32 s1, $0x11  }
0xc2: {  	s0 =	sor.u32 s1, s0  }
0xc3: {  	s0 =	sadd.s32 $0x8F2B, s0  }
0xc4: {  	[sflag:s0] =	ssyncadd.remote.s32 $0x1  }
0xc5: {  	_ =	sfence.sel $0xFFFF  }
0xc6: {  	[dreg:$0x0] =	wrdreg $0xFFFFFFFF;
	(pc) =	sbr.abs _section_cstart, $3  }
0xc7: {  	[dreg:$0x1] =	wrdreg $0xFFFFFFFF  }
0xc8: {  	_ =	task.clear_ibuf [dreg:s8], $0x2FFFF;
	_ =	strace $0x9FFFFFFF  }
0xc9: {  	(tm) =	ssettm $0x7FFFFFFF  }
tec
execute0_lowered:
.L_overlay_start_1:
0x0: {  	(tag) =	ssettag $0x1  }
0x1: {  	s3 =	rddreg [dreg:$0x0];
	v1 =	vlaneseq.u32  }
0x2: {  	s4 =	rddreg [dreg:$0x1];
	s0 =	stileid.u32;
	v0 =	vshrl.u32 v1, $0x2  }
0x3: {  	s5 =	rddreg [dreg:$0x2];
	s2 =	srdreg.scid;
	v1 =	vand.u32 $0x3, v1;
	v2 =	vor.u32 $0x4, v0  }
0x4: {  	s1 =	rddreg [dreg:$0x3];
	s10 =	simm.s32 $0x8000;
	s11 =	simm.s32 $0x8080;
	v3 =	vor.u32 $0x8, v0;
	v4 =	vor.u32 $0xC, v0;
	v5 =	vor.u32 $0x10, v0  }
0x5: {  	s6 =	sshll.u32 s0, $0x1;
	s7 =	sand.u32 $0x1, s2;
	s2 =	simm.s32 $0x0;
	v6 =	vor.u32 $0x14, v0;
	v7 =	vor.u32 $0x18, v0;
	v8 =	vor.u32 $0x1C, v0  }
0x6: {  	s8 =	sshll.u32 s0, $0x6;
	s6 =	sand.u32 $0x2, s6;
	[smem:$0x7FF] =	sst s2;
	v9 =	vor.u32 $0x20, v0;
	v10 =	vor.u32 $0x24, v0;
	v11 =	vor.u32 $0x28, v0  }
0x7: {  	s8 =	sand.u32 $0x380, s8;
	v12 =	vor.u32 $0x2C, v0;
	v13 =	vor.u32 $0x30, v0;
	v14 =	vor.u32 $0x34, v0;
	s6 =	sor.u32 s7, s6;
	_ =	strace $0x80000047  }
0x8: {  	v15 =	vor.u32 $0x38, v0;
	v16 =	vor.u32 $0x3C, v0;
	v17 =	vor.u32 $0x40, v0;
	s7 =	ssub.s32 $0x2, s7;
	s9 =	sshll.u32 s6, $0xC;
	s6 =	sshll.u32 s6, $0xA  }
0x9: {  	v18 =	vor.u32 $0x44, v0;
	v19 =	vor.u32 $0x48, v0;
	v20 =	vor.u32 $0x4C, v0;
	s31 =	sshrl.u32 s7, $0x1;
	s9 =	sor.u32 s8, s9;
	s6 =	sor.u32 s8, s6  }
0xa: {  	v21 =	vor.u32 $0x50, v0;
	v22 =	vor.u32 $0x54, v0;
	v23 =	vor.u32 $0x58, v0;
	s7 =	ssub.s32 s7, s31;
	s8 =	sshrl.u32 s8, $0x3;
	s9 =	sshrl.u32 s9, $0x3  }
0xb: {  	v24 =	vor.u32 $0x5C, v0;
	v25 =	vor.u32 $0x60, v0;
	v26 =	vor.u32 $0x64, v0;
	s6 =	sshrl.u32 s6, $0x3;
	s3 =	sadd.s32 s3, s8;
	s8 =	simm.s32 $0x400  }
0xc: {  	v27 =	vor.u32 $0x68, v0;
	v28 =	vor.u32 $0x6C, v0;
	v29 =	vor.u32 $0x70, v0;
	s5 =	sadd.s32 s9, s5;
	s4 =	sadd.s32 s4, s6;
	s6 =	smax.u32 s7, $0x1  }
0xd: {  	v30 =	vor.u32 $0x74, v0;
	v31 =	vor.u32 $0x78, v0;
	v32 =	vor.u32 $0x7C, v0;
	s7 =	simm.s32 $0x80;
	s9 =	simm.s32 $0x1;
	s5 =	sadd.s32 $0x1A00, s5  }
.LBB2_1:
0xe: {  	[tilespmem:s2], [sflag:$0x1] =	stream.strided.gather [hbm4b:s3+s7], $0x8000, s8, s7, $0x38;
	[tilespmem:$0x8280] =	vst v63  }
0xf: {  	_ =	swait.ge [sflag:s9], $0x8000  }
0x10: {  	[sflag:s9] =	ssyncset.done $0x0  }
0x11: {  	[sflag:s9] =	ssyncadd.s32 $0xFFFF8000  }
0x12: {  	[tilespmem:s10], [sflag:$0x1] =	stream.linear.gather [hbm4b:s4+s2], $0x80, $0x38;
	[tilespmem:$0x8280] =	vst v63  }
0x13: {  	_ =	swait.ge [sflag:s9], $0x80  }
0x14: {  	[sflag:s9] =	ssyncset.done $0x0  }
0x15: {  	[sflag:s9] =	ssyncadd.s32 $0xFFFFFF80  }
0x16: {  	v33 =	vld.idx.msk [tilespmem:v0+s10+$0x0], $0xffff;
	_ =	sdelay $0x4  }
0x17: {  	v33 =	vshll.u32 v33, $0x2  }
0x18: {  	v33 =	vor.u32 v1, v33;
	_ =	sdelay $0x4  }
0x19: {  	v33 =	vld.idx.msk [tilespmem:v33+s2+$0x0], $0xffff;
	_ =	sdelay $0x4  }
0x1a: {  	[tilespmem:$0x8080] =	vst v33  }
0x1b: {  	v33 =	vld.idx.msk [tilespmem:v2+s10+$0x0], $0xffff;
	_ =	sdelay $0x4  }
0x1c: {  	v33 =	vshll.u32 v33, $0x2  }
0x1d: {  	v33 =	vor.u32 v1, v33;
	_ =	sdelay $0x4  }
0x1e: {  	v33 =	vld.idx.msk [tilespmem:v33+s2+$0x0], $0xffff;
	_ =	sdelay $0x4  }
0x1f: {  	[tilespmem:$0x8090] =	vst v33  }
0x20: {  	v33 =	vld.idx.msk [tilespmem:v3+s10+$0x0], $0xffff;
	_ =	sdelay $0x4  }
0x21: {  	v33 =	vshll.u32 v33, $0x2  }
0x22: {  	v33 =	vor.u32 v1, v33;
	_ =	sdelay $0x4  }
0x23: {  	v33 =	vld.idx.msk [tilespmem:v33+s2+$0x0], $0xffff;
	_ =	sdelay $0x4  }
0x24: {  	[tilespmem:$0x80A0] =	vst v33  }
0x25: {  	v33 =	vld.idx.msk [tilespmem:v4+s10+$0x0], $0xffff;
	_ =	sdelay $0x4  }
0x26: {  	v33 =	vshll.u32 v33, $0x2  }
0x27: {  	v33 =	vor.u32 v1, v33;
	_ =	sdelay $0x4  }
0x28: {  	v33 =	vld.idx.msk [tilespmem:v33+s2+$0x0], $0xffff;
	_ =	sdelay $0x4  }
0x29: {  	[tilespmem:$0x80B0] =	vst v33  }
0x2a: {  	v33 =	vld.idx.msk [tilespmem:v5+s10+$0x0], $0xffff;
	_ =	sdelay $0x4  }
0x2b: {  	v33 =	vshll.u32 v33, $0x2  }
0x2c: {  	v33 =	vor.u32 v1, v33;
	_ =	sdelay $0x4  }
0x2d: {  	v33 =	vld.idx.msk [tilespmem:v33+s2+$0x0], $0xffff;
	_ =	sdelay $0x4  }
0x2e: {  	[tilespmem:$0x80C0] =	vst v33  }
0x2f: {  	v33 =	vld.idx.msk [tilespmem:v6+s10+$0x0], $0xffff;
	_ =	sdelay $0x4  }
0x30: {  	v33 =	vshll.u32 v33, $0x2  }
0x31: {  	v33 =	vor.u32 v1, v33;
	_ =	sdelay $0x4  }
0x32: {  	v33 =	vld.idx.msk [tilespmem:v33+s2+$0x0], $0xffff;
	_ =	sdelay $0x4  }
0x33: {  	[tilespmem:$0x80D0] =	vst v33  }
0x34: {  	v33 =	vld.idx.msk [tilespmem:v7+s10+$0x0], $0xffff;
	_ =	sdelay $0x4  }
0x35: {  	v33 =	vshll.u32 v33, $0x2  }
0x36: {  	v33 =	vor.u32 v1, v33;
	_ =	sdelay $0x4  }
0x37: {  	v33 =	vld.idx.msk [tilespmem:v33+s2+$0x0], $0xffff;
	_ =	sdelay $0x4  }
0x38: {  	[tilespmem:$0x80E0] =	vst v33  }
0x39: {  	v33 =	vld.idx.msk [tilespmem:v8+s10+$0x0], $0xffff;
	_ =	sdelay $0x4  }
0x3a: {  	v33 =	vshll.u32 v33, $0x2  }
0x3b: {  	v33 =	vor.u32 v1, v33;
	_ =	sdelay $0x4  }
0x3c: {  	v33 =	vld.idx.msk [tilespmem:v33+s2+$0x0], $0xffff;
	_ =	sdelay $0x4  }
0x3d: {  	[tilespmem:$0x80F0] =	vst v33  }
0x3e: {  	v33 =	vld.idx.msk [tilespmem:v9+s10+$0x0], $0xffff;
	_ =	sdelay $0x4  }
0x3f: {  	v33 =	vshll.u32 v33, $0x2  }
0x40: {  	v33 =	vor.u32 v1, v33;
	_ =	sdelay $0x4  }
0x41: {  	v33 =	vld.idx.msk [tilespmem:v33+s2+$0x0], $0xffff;
	_ =	sdelay $0x4  }
0x42: {  	[tilespmem:$0x8100] =	vst v33  }
0x43: {  	v33 =	vld.idx.msk [tilespmem:v10+s10+$0x0], $0xffff;
	_ =	sdelay $0x4  }
0x44: {  	v33 =	vshll.u32 v33, $0x2  }
0x45: {  	v33 =	vor.u32 v1, v33;
	_ =	sdelay $0x4  }
0x46: {  	v33 =	vld.idx.msk [tilespmem:v33+s2+$0x0], $0xffff;
	_ =	sdelay $0x4  }
0x47: {  	[tilespmem:$0x8110] =	vst v33  }
0x48: {  	v33 =	vld.idx.msk [tilespmem:v11+s10+$0x0], $0xffff;
	_ =	sdelay $0x4  }
0x49: {  	v33 =	vshll.u32 v33, $0x2  }
0x4a: {  	v33 =	vor.u32 v1, v33;
	_ =	sdelay $0x4  }
0x4b: {  	v33 =	vld.idx.msk [tilespmem:v33+s2+$0x0], $0xffff;
	_ =	sdelay $0x4  }
0x4c: {  	[tilespmem:$0x8120] =	vst v33  }
0x4d: {  	v33 =	vld.idx.msk [tilespmem:v12+s10+$0x0], $0xffff;
	_ =	sdelay $0x4  }
0x4e: {  	v33 =	vshll.u32 v33, $0x2  }
0x4f: {  	v33 =	vor.u32 v1, v33;
	_ =	sdelay $0x4  }
0x50: {  	v33 =	vld.idx.msk [tilespmem:v33+s2+$0x0], $0xffff;
	_ =	sdelay $0x4  }
0x51: {  	[tilespmem:$0x8130] =	vst v33  }
0x52: {  	v33 =	vld.idx.msk [tilespmem:v13+s10+$0x0], $0xffff;
	_ =	sdelay $0x4  }
0x53: {  	v33 =	vshll.u32 v33, $0x2  }
0x54: {  	v33 =	vor.u32 v1, v33;
	_ =	sdelay $0x4  }
0x55: {  	v33 =	vld.idx.msk [tilespmem:v33+s2+$0x0], $0xffff;
	_ =	sdelay $0x4  }
0x56: {  	[tilespmem:$0x8140] =	vst v33  }
0x57: {  	v33 =	vld.idx.msk [tilespmem:v14+s10+$0x0], $0xffff;
	_ =	sdelay $0x4  }
0x58: {  	v33 =	vshll.u32 v33, $0x2  }
0x59: {  	v33 =	vor.u32 v1, v33;
	_ =	sdelay $0x4  }
0x5a: {  	v33 =	vld.idx.msk [tilespmem:v33+s2+$0x0], $0xffff;
	_ =	sdelay $0x4  }
0x5b: {  	[tilespmem:$0x8150] =	vst v33  }
0x5c: {  	v33 =	vld.idx.msk [tilespmem:v15+s10+$0x0], $0xffff;
	_ =	sdelay $0x4  }
0x5d: {  	v33 =	vshll.u32 v33, $0x2  }
0x5e: {  	v33 =	vor.u32 v1, v33;
	_ =	sdelay $0x4  }
0x5f: {  	v33 =	vld.idx.msk [tilespmem:v33+s2+$0x0], $0xffff;
	_ =	sdelay $0x4  }
0x60: {  	[tilespmem:$0x8160] =	vst v33  }
0x61: {  	v33 =	vld.idx.msk [tilespmem:v16+s10+$0x0], $0xffff;
	_ =	sdelay $0x4  }
0x62: {  	v33 =	vshll.u32 v33, $0x2  }
0x63: {  	v33 =	vor.u32 v1, v33;
	_ =	sdelay $0x4  }
0x64: {  	v33 =	vld.idx.msk [tilespmem:v33+s2+$0x0], $0xffff;
	_ =	sdelay $0x4  }
0x65: {  	[tilespmem:$0x8170] =	vst v33  }
0x66: {  	v33 =	vld.idx.msk [tilespmem:v17+s10+$0x0], $0xffff;
	_ =	sdelay $0x4  }
0x67: {  	v33 =	vshll.u32 v33, $0x2  }
0x68: {  	v33 =	vor.u32 v1, v33;
	_ =	sdelay $0x4  }
0x69: {  	v33 =	vld.idx.msk [tilespmem:v33+s2+$0x0], $0xffff;
	_ =	sdelay $0x4  }
0x6a: {  	[tilespmem:$0x8180] =	vst v33  }
0x6b: {  	v33 =	vld.idx.msk [tilespmem:v18+s10+$0x0], $0xffff;
	_ =	sdelay $0x4  }
0x6c: {  	v33 =	vshll.u32 v33, $0x2  }
0x6d: {  	v33 =	vor.u32 v1, v33;
	_ =	sdelay $0x4  }
0x6e: {  	v33 =	vld.idx.msk [tilespmem:v33+s2+$0x0], $0xffff;
	_ =	sdelay $0x4  }
0x6f: {  	[tilespmem:$0x8190] =	vst v33  }
0x70: {  	v33 =	vld.idx.msk [tilespmem:v19+s10+$0x0], $0xffff;
	_ =	sdelay $0x4  }
0x71: {  	v33 =	vshll.u32 v33, $0x2  }
0x72: {  	v33 =	vor.u32 v1, v33;
	_ =	sdelay $0x4  }
0x73: {  	v33 =	vld.idx.msk [tilespmem:v33+s2+$0x0], $0xffff;
	_ =	sdelay $0x4  }
0x74: {  	[tilespmem:$0x81A0] =	vst v33  }
0x75: {  	v33 =	vld.idx.msk [tilespmem:v20+s10+$0x0], $0xffff;
	_ =	sdelay $0x4  }
0x76: {  	v33 =	vshll.u32 v33, $0x2  }
0x77: {  	v33 =	vor.u32 v1, v33;
	_ =	sdelay $0x4  }
0x78: {  	v33 =	vld.idx.msk [tilespmem:v33+s2+$0x0], $0xffff;
	_ =	sdelay $0x4  }
0x79: {  	[tilespmem:$0x81B0] =	vst v33  }
0x7a: {  	v33 =	vld.idx.msk [tilespmem:v21+s10+$0x0], $0xffff;
	_ =	sdelay $0x4  }
0x7b: {  	v33 =	vshll.u32 v33, $0x2  }
0x7c: {  	v33 =	vor.u32 v1, v33;
	_ =	sdelay $0x4  }
0x7d: {  	v33 =	vld.idx.msk [tilespmem:v33+s2+$0x0], $0xffff;
	_ =	sdelay $0x4  }
0x7e: {  	[tilespmem:$0x81C0] =	vst v33  }
0x7f: {  	v33 =	vld.idx.msk [tilespmem:v22+s10+$0x0], $0xffff;
	_ =	sdelay $0x4  }
0x80: {  	v33 =	vshll.u32 v33, $0x2  }
0x81: {  	v33 =	vor.u32 v1, v33;
	_ =	sdelay $0x4  }
0x82: {  	v33 =	vld.idx.msk [tilespmem:v33+s2+$0x0], $0xffff;
	_ =	sdelay $0x4  }
0x83: {  	[tilespmem:$0x81D0] =	vst v33  }
0x84: {  	v33 =	vld.idx.msk [tilespmem:v23+s10+$0x0], $0xffff;
	_ =	sdelay $0x4  }
0x85: {  	v33 =	vshll.u32 v33, $0x2  }
0x86: {  	v33 =	vor.u32 v1, v33;
	_ =	sdelay $0x4  }
0x87: {  	v33 =	vld.idx.msk [tilespmem:v33+s2+$0x0], $0xffff;
	_ =	sdelay $0x4  }
0x88: {  	[tilespmem:$0x81E0] =	vst v33  }
0x89: {  	v33 =	vld.idx.msk [tilespmem:v24+s10+$0x0], $0xffff;
	_ =	sdelay $0x4  }
0x8a: {  	v33 =	vshll.u32 v33, $0x2  }
0x8b: {  	v33 =	vor.u32 v1, v33;
	_ =	sdelay $0x4  }
0x8c: {  	v33 =	vld.idx.msk [tilespmem:v33+s2+$0x0], $0xffff;
	_ =	sdelay $0x4  }
0x8d: {  	[tilespmem:$0x81F0] =	vst v33  }
0x8e: {  	v33 =	vld.idx.msk [tilespmem:v25+s10+$0x0], $0xffff;
	_ =	sdelay $0x4  }
0x8f: {  	v33 =	vshll.u32 v33, $0x2  }
0x90: {  	v33 =	vor.u32 v1, v33;
	_ =	sdelay $0x4  }
0x91: {  	v33 =	vld.idx.msk [tilespmem:v33+s2+$0x0], $0xffff;
	_ =	sdelay $0x4  }
0x92: {  	[tilespmem:$0x8200] =	vst v33  }
0x93: {  	v33 =	vld.idx.msk [tilespmem:v26+s10+$0x0], $0xffff;
	_ =	sdelay $0x4  }
0x94: {  	v33 =	vshll.u32 v33, $0x2  }
0x95: {  	v33 =	vor.u32 v1, v33;
	_ =	sdelay $0x4  }
0x96: {  	v33 =	vld.idx.msk [tilespmem:v33+s2+$0x0], $0xffff;
	_ =	sdelay $0x4  }
0x97: {  	[tilespmem:$0x8210] =	vst v33  }
0x98: {  	v33 =	vld.idx.msk [tilespmem:v27+s10+$0x0], $0xffff;
	_ =	sdelay $0x4  }
0x99: {  	v33 =	vshll.u32 v33, $0x2  }
0x9a: {  	v33 =	vor.u32 v1, v33;
	_ =	sdelay $0x4  }
0x9b: {  	v33 =	vld.idx.msk [tilespmem:v33+s2+$0x0], $0xffff;
	_ =	sdelay $0x4  }
0x9c: {  	[tilespmem:$0x8220] =	vst v33  }
0x9d: {  	v33 =	vld.idx.msk [tilespmem:v28+s10+$0x0], $0xffff;
	_ =	sdelay $0x4  }
0x9e: {  	v33 =	vshll.u32 v33, $0x2  }
0x9f: {  	v33 =	vor.u32 v1, v33;
	_ =	sdelay $0x4  }
0xa0: {  	v33 =	vld.idx.msk [tilespmem:v33+s2+$0x0], $0xffff;
	_ =	sdelay $0x4  }
0xa1: {  	[tilespmem:$0x8230] =	vst v33  }
0xa2: {  	v33 =	vld.idx.msk [tilespmem:v29+s10+$0x0], $0xffff;
	_ =	sdelay $0x4  }
0xa3: {  	v33 =	vshll.u32 v33, $0x2  }
0xa4: {  	v33 =	vor.u32 v1, v33;
	_ =	sdelay $0x4  }
0xa5: {  	v33 =	vld.idx.msk [tilespmem:v33+s2+$0x0], $0xffff;
	_ =	sdelay $0x4  }
0xa6: {  	[tilespmem:$0x8240] =	vst v33  }
0xa7: {  	v33 =	vld.idx.msk [tilespmem:v30+s10+$0x0], $0xffff;
	_ =	sdelay $0x4  }
0xa8: {  	v33 =	vshll.u32 v33, $0x2  }
0xa9: {  	v33 =	vor.u32 v1, v33;
	_ =	sdelay $0x4  }
0xaa: {  	v33 =	vld.idx.msk [tilespmem:v33+s2+$0x0], $0xffff;
	_ =	sdelay $0x4  }
0xab: {  	[tilespmem:$0x8250] =	vst v33  }
0xac: {  	v33 =	vld.idx.msk [tilespmem:v31+s10+$0x0], $0xffff;
	_ =	sdelay $0x4  }
0xad: {  	v33 =	vshll.u32 v33, $0x2  }
0xae: {  	v33 =	vor.u32 v1, v33;
	_ =	sdelay $0x4  }
0xaf: {  	v33 =	vld.idx.msk [tilespmem:v33+s2+$0x0], $0xffff;
	_ =	sdelay $0x4  }
0xb0: {  	[tilespmem:$0x8260] =	vst v33  }
0xb1: {  	v33 =	vld.idx.msk [tilespmem:v32+s10+$0x0], $0xffff;
	_ =	sdelay $0x4  }
0xb2: {  	v33 =	vshll.u32 v33, $0x2  }
0xb3: {  	v33 =	vor.u32 v1, v33;
	_ =	sdelay $0x4  }
0xb4: {  	v33 =	vld.idx.msk [tilespmem:v33+s2+$0x0], $0xffff;
	_ =	sdelay $0x3  }
0xb5: {  	p0 =	sne.s32 s6, $0x1  }
.Ltmp0:
0xb6: {  	[tilespmem:$0x8270] =	vst v33;
	(pc) =	sbr.rel @p0 .LBB2_1-.Ltmp0, $4  }
0xb7: {  	[hbm4b:s5+s7] =	stream.strided.scatter [tilespmem:s11], [sflag:$0x1], $0x200, s8, s7, $0x38;
	[tilespmem:$0x8280] =	vst v63  }
0xb8: {  	_ =	swait.ge [sflag:s9], $0x200  }
0xb9: {  	[sflag:s9] =	ssyncset.done $0x0  }
0xba: {  	s6 =	sadd.s32 $0xFFFFFFFF, s6;
	[sflag:s9] =	ssyncadd.s32 $0xFFFFFE00  }
0xbb: {  	_ =	sfence.sel $0x180000  }
0xbc: {  	[bflag:$0x0] =	sbarrier.arrive $0xFFFF  }
0xbd: {  	p0 =	sne.s32 s0, $0x0;
	_ =	strace $0x90000047  }
0xbe: {  	s0 =	sadd.s32 @!p0 $0x100000, s1;
	[bflag:$0x2] =	sbarrier.arrive $0xFFFF  }
0xbf: {  	[sflag:s0] =	ssyncadd.tile.s32 @!p0 $0x1;
	_ =	shalt  }
.Lfunc_end2:
_tile_overlayer_lowered:
.L_overlay_start_2:
0xc0: {  	(tag) =	ssettag $0x2  }
0xc1: {  	s0 =	rddreg [dreg:$0x0];
	s2 =	stileid.u32  }
0xc2: {  	s1 =	rddreg [dreg:$0x1];
	p0 =	sne.s32 s2, $0x0  }
0xc3: {  	s3 =	rddreg [dreg:$0x2];
	[bflag:$0x3] =	sbarrier.arrive $0xFFFF;
	s2 =	simm.s32 @!p0 $0x1C01  }
0xc4: {  	[timem:s3], [sflag:s2] =	dma.local @!p0 [hbm:s0], s1  }
0xc5: {  	s0 =	simm.s32 @!p0 $0x1  }
0xc6: {  	_ =	swait.ge @!p0 [sflag:s0], s1  }
0xc7: {  	s1 =	ssub.s32 @!p0 $0x0, s1;
	[sflag:s0] =	ssyncset.done @!p0 $0x0  }
0xc8: {  	[sflag:s0] =	ssyncadd.s32 @!p0 s1  }
0xc9: {  	[bflag:$0x3] =	sbarrier.arrive $0xFFFF  }
0xca: {  	_ =	shalt  }

// kernel: kernel.8.cloned.1.call-start
scs
__scs_entry_jumppad:
0x0: {  	(pc) =	sbr.rel $0x88, $3  }
0x1: {  	(tag) =	ssettag $0x0;
	lr =	simm.s32 $0x1  }
0x2: {  	[smem:$0x3F9F] =	sst lr;
	_ =	strace $0xD0000000  }
0x3: {  	_ = 	snop  }
0x4: {  	_ = 	snop  }
0x5: {  	_ = 	snop  }
0x6: {  	_ = 	snop  }
0x7: {  	_ = 	snop  }
__scs_overlays_trampoline_lowered:
0x8: {  	[smem:$0x3FAE] =	sst s0  }
0x9: {  	[smem:$0x3FAF] =	sst s1  }
0xa: {  	[smem:$0x3FB0] =	sst s2  }
0xb: {  	[smem:$0x3FB1] =	sst s3  }
0xc: {  	[smem:$0x3FB2] =	sst s4  }
0xd: {  	[smem:$0x3FB3] =	sst s5  }
0xe: {  	[smem:$0x3FB4] =	sst s6  }
0xf: {  	[smem:$0x3FB5] =	sst s7  }
0x10: {  	[smem:$0x3FB6] =	sst s8  }
0x11: {  	[smem:$0x3FB7] =	sst s9;
	s0 =	simm.s32 @!p0 $0x0  }
0x12: {  	s1 =	sld [smem:$0x3F9D];
	s0 =	simm.s32 @p0 $0x1  }
0x13: {  	[smem:$0x3FB8] =	sst s0;
	s0 =	simm.s32 @!p1 $0x0  }
0x14: {  	s2 =	sld [smem:$0x3F9C];
	s0 =	simm.s32 @p1 $0x1  }
0x15: {  	[smem:$0x3FB9] =	sst s0;
	s0 =	simm.s32 @!p2 $0x0  }
0x16: {  	s3 =	sld [smem:$0x3FDB];
	s0 =	simm.s32 @p2 $0x1  }
0x17: {  	s4 =	simm.s32 $0x1BF5;
	[smem:$0x3FBB] =	sst s0  }
0x18: {  	s0 =	sld [smem:$0x3F9E];
	_ =	swait.ge [sflag:s4], $0x0  }
0x19: {  	s7 =	sld [smem:$0x3F9F]  }
0x1a: {  	s8 =	sadd.s32 $0xFFFFE003, lr  }
0x1b: {  	s9 =	sadd.s32 $0xFFFFFEF7, lr;
	s5 =	simm.s32 $0xFFFFFFFF;
	p2 =	slt.u32 s8, $0xFFFFF086  }
0x1c: {  	p1 =	slt.u32 s9, $0xF7A;
	s5 =	simm.s32 @!p2 $0x0  }
0x1d: {  	s5 =	simm.s32 @p1 $0x1;
	p0 =	seq.s32 s7, s2  }
0x1e: {  	s7 =	smul.u32 @!p0 $0xF7A, s2;
	p2 =	seq.s32 @!p0 s5, $0x0  }
0x1f: {  	s9 =	smul.u32 $0xF7A, s1;
	s8 =	simm.s32 @!p0 $0x1BF5;
	p2 =	por !p2, p0  }
0x20: {  	[sflag:s8] =	ssyncset.s32 @!p0 $0xFFFFF086;
	s6 =	sadd.s32 @!p0 s3, s7;
	s7 =	simm.s32 @!p0 $0x108  }
0x21: {  	s3 =	sadd.s32 s3, s9;
	s6 =	sadd.s32 @!p0 $0x88, s6;
	s7 =	simm.s32 @p2 $0x1082  }
0x22: {  	[simem:s7], [sflag:s8] =	dma.local @!p0 [hbm:s6], $0xF7A  }
0x23: {  	s9 =	sor.u32 $0xD0000000, s2;
	s6 =	simm.s32 $0x108;
	_ =	swait.ge @!p0 [sflag:s8], $0x0  }
0x24: {  	s3 =	sadd.s32 $0x88, s3;
	s6 =	simm.s32 @!p1 $0x1082;
	[sflag:s4] =	ssyncset.s32 $0xFFFFF086  }
0x25: {  	[simem:s6], [sflag:s4] =	dma.local [hbm:s3], $0xF7A  }
0x26: {  	[smem:$0x3F9F] =	sst s1;
	(tag) =	ssettag s2;
	_ =	strace s9  }
0x27: {  	s1 =	sld [smem:$0x3FAF]  }
0x28: {  	s2 =	sld [smem:$0x3FB0]  }
0x29: {  	s4 =	sld [smem:$0x3FB2]  }
0x2a: {  	p0 =	seq.s32 s5, $0x0;
	s5 =	sld [smem:$0x3FB3]  }
0x2b: {  	s6 =	sld [smem:$0x3FB4]  }
0x2c: {  	s7 =	sld [smem:$0x3FB5]  }
0x2d: {  	s3 =	simm.s32 $0x108;
	s8 =	sld [smem:$0x3FB6]  }
0x2e: {  	s3 =	simm.s32 @!p0 $0x1082;
	s9 =	sld [smem:$0x3FB7]  }
0x2f: {  	lr =	sadd.s32 s0, s3;
	s0 =	sld [smem:$0x3FAE]  }
0x30: {  	s3 =	sld [smem:$0x3FB1]  }
0x31: {  	[smem:$0x3FBA] =	sst s10  }
0x32: {  	s10 =	sld [smem:$0x3FB8];
	_ =	sdelay $0x3  }
0x33: {  	p0 =	seq.s32 s10, $0x1;
	s10 =	sld [smem:$0x3FBA];
	_ =	sdelay $0x3  }
0x34: {  	[smem:$0x3FBA] =	sst s10  }
0x35: {  	s10 =	sld [smem:$0x3FB9];
	_ =	sdelay $0x3  }
0x36: {  	p1 =	seq.s32 s10, $0x1;
	s10 =	sld [smem:$0x3FBA];
	_ =	sdelay $0x3  }
0x37: {  	[smem:$0x3FBA] =	sst s10  }
0x38: {  	s10 =	sld [smem:$0x3FBB]  }
0x39: {  	_ = 	snop;
	(pc) =	sbr.ind lr, $3  }
0x3a: {  	_ = 	snop  }
0x3b: {  	_ = 	snop  }
0x3c: {  	p2 =	seq.s32 s10, $0x1;
	s10 =	sld [smem:$0x3FBA]  }
0x3d: {  	_ =	shalt  }
0x3e: {  	_ =	shalt  }
0x3f: {  	_ =	shalt  }
0x40: {  	_ =	shalt  }
0x41: {  	_ =	shalt  }
0x42: {  	_ =	shalt  }
0x43: {  	_ =	shalt  }
0x44: {  	_ =	shalt  }
0x45: {  	_ =	shalt  }
0x46: {  	_ =	shalt  }
0x47: {  	_ =	shalt  }
0x48: {  	_ =	shalt  }
0x49: {  	_ =	shalt  }
0x4a: {  	_ =	shalt  }
0x4b: {  	_ =	shalt  }
0x4c: {  	_ =	shalt  }
0x4d: {  	_ =	shalt  }
0x4e: {  	_ =	shalt  }
0x4f: {  	_ =	shalt  }
0x50: {  	_ =	shalt  }
0x51: {  	_ =	shalt  }
0x52: {  	_ =	shalt  }
0x53: {  	_ =	shalt  }
0x54: {  	_ =	shalt  }
0x55: {  	_ =	shalt  }
0x56: {  	_ =	shalt  }
0x57: {  	_ =	shalt  }
0x58: {  	_ =	shalt  }
0x59: {  	_ =	shalt  }
0x5a: {  	_ =	shalt  }
0x5b: {  	_ =	shalt  }
0x5c: {  	_ =	shalt  }
0x5d: {  	_ =	shalt  }
0x5e: {  	_ =	shalt  }
0x5f: {  	_ =	shalt  }
0x60: {  	_ =	shalt  }
0x61: {  	_ =	shalt  }
0x62: {  	_ =	shalt  }
0x63: {  	_ =	shalt  }
0x64: {  	_ =	shalt  }
0x65: {  	_ =	shalt  }
0x66: {  	_ =	shalt  }
0x67: {  	_ =	shalt  }
0x68: {  	_ =	shalt  }
0x69: {  	_ =	shalt  }
0x6a: {  	_ =	shalt  }
0x6b: {  	_ =	shalt  }
0x6c: {  	_ =	shalt  }
0x6d: {  	_ =	shalt  }
0x6e: {  	_ =	shalt  }
0x6f: {  	_ =	shalt  }
0x70: {  	_ =	shalt  }
0x71: {  	_ =	shalt  }
0x72: {  	_ =	shalt  }
0x73: {  	_ =	shalt  }
0x74: {  	_ =	shalt  }
0x75: {  	_ =	shalt  }
0x76: {  	_ =	shalt  }
0x77: {  	_ =	shalt  }
0x78: {  	_ =	shalt  }
0x79: {  	_ =	shalt  }
0x7a: {  	_ =	shalt  }
0x7b: {  	_ =	shalt  }
0x7c: {  	_ =	shalt  }
0x7d: {  	_ =	shalt  }
0x7e: {  	_ =	shalt  }
0x7f: {  	_ =	shalt  }
0x80: {  	_ =	shalt  }
0x81: {  	_ =	shalt  }
0x82: {  	_ =	shalt  }
0x83: {  	_ =	shalt  }
0x84: {  	_ =	shalt  }
0x85: {  	_ =	shalt  }
0x86: {  	_ =	shalt  }
0x87: {  	_ =	shalt  }
.Lfunc_end0:
.L_simem_size_0:
called_computation.2_lowered:
.L_overlay_start_0:
0x88: {  	s2 =	sld [smem:$0x3FD9]  }
0x89: {  	s3 =	sld [smem:$0x3FFE];
	_ =	sdelay $0x1  }
0x8a: {  	s1 =	srdreg.scid  }
0x8b: {  	s0 =	sand.u32 $0x1, s1  }
0x8c: {  	s14 =	sshll.u32 s0, $0xA;
	s2 =	sadd.s32 s3, s2  }
0x8d: {  	s2 =	sadd.s32 s2, s14  }
0x8e: {  	[smem:$0x3FC6] =	sst s2  }
0x8f: {  	_ = 	snop  }
0x90: {  	s2 =	sld [smem:$0x3FD0];
	_ =	sdelay $0x2  }
0x91: {  	s15 =	simm.s32 $0xA;
	s4 =	simm.s32 $0x10  }
0x92: {  	[smem:s4], [sflag:s15] =	dma.local [hbm:s2], $0x1  }
0x93: {  	_ =	swait.eq [sflag:s15], $0x1  }
0x94: {  	[sflag:s15] =	ssyncset.done $0x0  }
0x95: {  	s16 =	sld [smem:$0x11];
	[sflag:s15] =	ssyncadd.s32 $0xFFFFFFFF  }
0x96: {  	s17 =	sld [smem:$0x13];
	(tm) =	ssettm $0x1  }
0x97: {  	s18 =	sld [smem:$0x3FFB];
	_ =	sdelay $0x3  }
0x98: {  	_ =	strace s18  }
0x99: {  	s4 =	sld [smem:$0x3FFC];
	_ =	sdelay $0x3  }
0x9a: {  	_ =	strace s4  }
0x9b: {  	s4 =	sld [smem:$0x3FFD];
	_ =	sdelay $0x3  }
0x9c: {  	_ =	strace s4  }
0x9d: {  	_ =	strace $0x8FFFFFFF  }
0x9e: {  	s19 =	sld [smem:$0x3FDB];
	_ =	sdelay $0x1  }
0x9f: {  	s5 =	simm.s32 $_scs_section_size  }
0xa0: {  	s6 =	simm.s32 $_size__tile_overlayer_lowered;
	s7 =	simm.s32 $_tile_overlayer_lowered  }
0xa1: {  	s22 =	simm.s32 $0x1BFF;
	s21 =	sshll.u32 s7, $0x1;
	s4 =	sadd.s32 s5, s19  }
0xa2: {  	s8 =	simm.s32 $0x0;
	s20 =	sshll.u32 s6, $0x1;
	s6 =	sadd.s32 s21, s4  }
0xa3: {  	[timem:s8], [sflag:s22] =	dma.local [hbm:s6], s20  }
0xa4: {  	_ =	swait.ge [sflag:s22], s20  }
0xa5: {  	s5 =	ssub.s32 $0x0, s20;
	[sflag:s22] =	ssyncset.done $0x0  }
0xa6: {  	[sflag:s22] =	ssyncadd.s32 s5;
	_ =	sdelay $0x1  }
0xa7: {  	s23 =	simm.s32 $0x1B8B  }
0xa8: {  	_ =	swait.ge [sflag:s23], $0x1  }
0xa9: {  	[sflag:s23] =	ssyncset.done $0x0  }
0xaa: {  	s25 =	simm.s32 $0x1B8E;
	s24 =	sld [smem:$0x3FFE];
	[sflag:s23] =	ssyncadd.s32 $0xFFFFFFFF  }
0xab: {  	s26 =	simm.s32 $execute0_lowered;
	[smem:$0x3FD2] =	sst s25  }
0xac: {  	s6 =	sshll.u32 s26, $0x1;
	_ =	strace $0x80000049;
	[dreg:$0x1] =	wrdreg $0xFFFFFFFF  }
0xad: {  	s28 =	simm.s32 $_size_execute0_lowered;
	s4 =	sadd.s32 s4, s6;
	[dreg:$0x0] =	wrdreg $0x0  }
0xae: {  	s6 =	sshll.u32 s28, $0x1;
	[dreg:$0x2] =	wrdreg s4  }
0xaf: {  	[dreg:$0x3] =	wrdreg s6  }
0xb0: {  	[dreg:$0x4] =	wrdreg $0xC0  }
0xb1: {  	_ =	task [dreg:s8], $0x5FFFF  }
0xb2: {  	[dreg:$0x1] =	wrdreg $0xFFFFFFFF  }
0xb3: {  	[dreg:$0x0] =	wrdreg $0x60  }
0xb4: {  	[dreg:$0x2] =	wrdreg s24  }
0xb5: {  	[dreg:$0x3] =	wrdreg s17  }
0xb6: {  	[dreg:$0x4] =	wrdreg s16  }
0xb7: {  	[dreg:$0x5] =	wrdreg $0x9  }
0xb8: {  	_ =	task.clear_ibuf [dreg:s8], $0x6FFFF;
	_ =	strace $0x90000049  }
0xb9: {  	s29 =	simm.s32 $0x9;
	_ =	strace $0x8000004B  }
0xba: {  	_ =	swait.ge [sflag:s29], $0x1  }
0xbb: {  	[sflag:s29] =	ssyncadd.s32 $0xFFFFFFFF  }
0xbc: {  	_ =	strace $0x9000004B  }
0xbd: {  	_ =	sfence  }
0xbe: {  	s30 =	sld [smem:$0x0];
	_ =	sdelay $0x2  }
0xbf: {  	s31 =	sshll.u32 s1, $0xD;
	s1 =	sshrl.u32 s1, $0x2  }
0xc0: {  	s3 =	sand.u32 $0x4000, s31;
	s1 =	sadd.s32 s1, s30  }
0xc1: {  	s0 =	sor.u32 s3, s0;
	s1 =	sshll.u32 s1, $0x11  }
0xc2: {  	s0 =	sor.u32 s1, s0  }
0xc3: {  	s0 =	sadd.s32 $0x8F2B, s0  }
0xc4: {  	[sflag:s0] =	ssyncadd.remote.s32 $0x1  }
0xc5: {  	_ =	sfence.sel $0xFFFF  }
0xc6: {  	[dreg:$0x0] =	wrdreg $0xFFFFFFFF;
	(pc) =	sbr.abs _section_cstart, $3  }
0xc7: {  	[dreg:$0x1] =	wrdreg $0xFFFFFFFF  }
0xc8: {  	_ =	task.clear_ibuf [dreg:s8], $0x2FFFF;
	_ =	strace $0x9FFFFFFF  }
0xc9: {  	(tm) =	ssettm $0x7FFFFFFF  }
tec
execute0_lowered:
.L_overlay_start_1:
0x0: {  	(tag) =	ssettag $0x1  }
0x1: {  	s4 =	rddreg [dreg:$0x0]  }
0x2: {  	s5 =	rddreg [dreg:$0x1]  }
0x3: {  	s9 =	rddreg [dreg:$0x2]  }
0x4: {  	s1 =	stileid.u32;
	s0 =	rddreg [dreg:$0x3];
	s2 =	simm.s32 $0x0  }
0x5: {  	s8 =	srdreg.scid;
	s16 =	simm.s32 $0x1;
	s17 =	simm.s32 $0x0  }
0x6: {  	s6 =	sshrl.u32 s1, $0x1;
	[smem:$0x7FF] =	sst s2;
	s11 =	sand.u32 $0x1, s8  }
0x7: {  	s12 =	sshll.u32 s1, $0x1;
	s30 =	sshll.u32 s1, $0x10;
	s3 =	sshll.u32 s6, $0xC  }
0x8: {  	_ =	strace $0x8000004A;
	s10 =	sshll.u32 s6, $0x8;
	s25 =	ssub.s32 $0x2, s11  }
0x9: {  	s15 =	sshll.u32 s6, $0xD;
	s12 =	sor.u32 s11, s12;
	s6 =	sshll.u32 s6, $0xB  }
0xa: {  	s9 =	sadd.s32 s30, s9;
	s31 =	sshll.u32 s11, $0xF;
	s11 =	simm.s32 $0x8000  }
0xb: {  	s7 =	sadd.s32 s3, s4;
	s3 =	sadd.s32 $0xA200, s4;
	s24 =	sadd.s32 s10, s4  }
0xc: {  	s13 =	sshrl.u32 s25, $0x1;
	s14 =	sadd.s32 s15, s4;
	s12 =	sand.u32 $0x3, s12  }
0xd: {  	s5 =	sadd.s32 s5, s6;
	s9 =	sadd.s32 s31, s9;
	v1 =	vmov s15;
	s15 =	simm.s32 $0xE200  }
0xe: {  	s10 =	ssub.s32 s25, s13;
	s4 =	sadd.s32 $0x2200, s7;
	s26 =	sshll.u32 s12, $0x9  }
0xf: {  	s28 =	sshll.u32 s12, $0x6;
	s12 =	sshll.u32 s12, $0xB;
	s13 =	simm.s32 $0xA200  }
0x10: {  	v2 =	vlaneseq.u32;
	s5 =	sadd.s32 s26, s5;
	s6 =	sadd.s32 s28, s24;
	s29 =	sadd.s32 s12, s14  }
0x11: {  	v0 =	vshrl.u32 v2, $0x2;
	s8 =	smax.u32 s10, $0x1;
	s10 =	simm.s32 $0x2;
	s12 =	simm.s32 $0xA000  }
0x12: {  	v2 =	vand.u32 $0x3, v2;
	v3 =	vor.u32 $0x4, v0;
	s14 =	simm.s32 $0x80;
	s6 =	sadd.s32 $0x8A200, s6;
	s7 =	sadd.s32 $0x8AA00, s29  }
.LBB2_1:
0x13: {  	[tilespmem:s2], [sflag:$0x2] =	stream.linear.gather [hbm4b:s4+s2], $0x8000, $0x38;
	[tilespmem:$0x10200] =	vst v63  }
0x14: {  	_ =	swait.ge [sflag:s10], $0x8000  }
0x15: {  	[sflag:s10] =	ssyncset.done $0x0  }
0x16: {  	[sflag:s10] =	ssyncadd.s32 $0xFFFF8000  }
0x17: {  	[tilespmem:s11], [sflag:$0x2] =	stream.linear.gather [hbm4b:s5+s2], $0x1000, $0x38;
	[tilespmem:$0x10200] =	vst v63  }
0x18: {  	_ =	swait.ge [sflag:s10], $0x1000  }
0x19: {  	[sflag:s10] =	ssyncset.done $0x0  }
0x1a: {  	[sflag:s10] =	ssyncadd.s32 $0xFFFFF000  }
0x1b: {  	[tilespmem:s12], [sflag:$0x2] =	stream.linear.gather [hbm4b:s6+s2], $0x200, $0x38;
	[tilespmem:$0x10200] =	vst v63  }
0x1c: {  	_ =	swait.ge [sflag:s10], $0x200  }
0x1d: {  	[sflag:s10] =	ssyncset.done $0x0  }
0x1e: {  	s19 =	simm.s32 $0x0;
	[sflag:s10] =	ssyncadd.s32 $0xFFFFFE00  }
0x1f: {  	v5 =	vld [tilespmem:s19+$0x8070]  }
0x20: {  	v8 =	vld [tilespmem:s19+$0x8000]  }
0x21: {  	v9 =	vld [tilespmem:s19+$0x8010]  }
0x22: {  	v7 =	vld [tilespmem:s19+$0x8020]  }
0x23: {  	v6 =	vld [tilespmem:s19+$0x8030]  }
0x24: {  	v4 =	vld [tilespmem:s19+$0x8040];
	v10 =	vadd.s32 v1, v5  }
0x25: {  	v5 =	vld [tilespmem:s19+$0x8050];
	v8 =	vadd.s32 v1, v8;
	[tilespmem:s19+$0x9070] =	vst v10  }
0x26: {  	s18 =	simm.s32 $0x80;
	s20 =	simm.s32 $0x400;
	v9 =	vadd.s32 v1, v9;
	[tilespmem:s19+$0x9000] =	vst v8;
	v8 =	vld [tilespmem:s19+$0x8060]  }
.LBB2_2:
0x27: {  	p0 =	sne.s32 s20, $0x3E00;
	v10 =	vld [tilespmem:s18+$0x8070];
	[tilespmem:s19+$0x9010] =	vst v9;
	v7 =	vadd.s32 v1, v7  }
0x28: {  	v9 =	vld [tilespmem:s18+$0x8000];
	[tilespmem:s19+$0x9020] =	vst v7;
	v6 =	vadd.s32 v1, v6  }
0x29: {  	v11 =	vld [tilespmem:s18+$0x8010];
	[tilespmem:s19+$0x9030] =	vst v6;
	v4 =	vadd.s32 v1, v4  }
.Ltmp0:
0x2a: {  	v7 =	vld [tilespmem:s18+$0x8020];
	[tilespmem:s19+$0x9040] =	vst v4;
	v4 =	vadd.s32 v1, v5;
	(pc) =	sbr.rel @p0 .LBB2_2-.Ltmp0, $4  }
0x2b: {  	v6 =	vld [tilespmem:s18+$0x8030];
	[tilespmem:s19+$0x9050] =	vst v4;
	v5 =	vadd.s32 v1, v8  }
0x2c: {  	v4 =	vld [tilespmem:s18+$0x8040];
	v8 =	vadd.s32 v1, v10;
	[tilespmem:s19+$0x9060] =	vst v5;
	s19 =	smov.u32 s18  }
0x2d: {  	v9 =	vadd.s32 v1, v9;
	v5 =	vld [tilespmem:s19+$0x8050];
	[tilespmem:s19+$0x9070] =	vst v8  }
0x2e: {  	s18 =	sshra.s32 s20, $0x2;
	s20 =	sadd.s32 $0x200, s20;
	[tilespmem:s19+$0x9000] =	vst v9;
	v9 =	vadd.s32 v1, v11;
	v8 =	vld [tilespmem:s19+$0x8060]  }
0x2f: {  	v10 =	vld [tilespmem:s18+$0x8070];
	[tilespmem:s19+$0x9010] =	vst v9;
	v7 =	vadd.s32 v1, v7  }
0x30: {  	v9 =	vld [tilespmem:s18+$0x8000];
	[tilespmem:s19+$0x9020] =	vst v7;
	v6 =	vadd.s32 v1, v6  }
0x31: {  	v7 =	vld [tilespmem:s18+$0x8010];
	[tilespmem:s19+$0x9030] =	vst v6;
	v4 =	vadd.s32 v1, v4  }
0x32: {  	v6 =	vld [tilespmem:s18+$0x8020];
	[tilespmem:s19+$0x9040] =	vst v4;
	v4 =	vadd.s32 v1, v5  }
0x33: {  	v5 =	vld [tilespmem:s18+$0x8030];
	[tilespmem:s19+$0x9050] =	vst v4;
	v4 =	vadd.s32 v1, v8  }
0x34: {  	v61 =	vld [tilespmem:s18+$0x8040];
	[tilespmem:s19+$0x9060] =	vst v4;
	v4 =	vadd.s32 v1, v10  }
0x35: {  	v62 =	vld [tilespmem:s18+$0x8050];
	v9 =	vadd.s32 v1, v9;
	[tilespmem:s18+$0x9070] =	vst v4  }
0x36: {  	v63 =	vld [tilespmem:s18+$0x8060];
	[tilespmem:s18+$0x9000] =	vst v9;
	v4 =	vadd.s32 v1, v7  }
0x37: {  	[tilespmem:s18+$0x9010] =	vst v4;
	v4 =	vadd.s32 v1, v6  }
0x38: {  	[tilespmem:s18+$0x9020] =	vst v4;
	v4 =	vadd.s32 v1, v5  }
0x39: {  	[tilespmem:s18+$0x9030] =	vst v4;
	v4 =	vadd.s32 v1, v61  }
0x3a: {  	[tilespmem:s18+$0x9040] =	vst v4;
	v4 =	vadd.s32 v1, v62  }
0x3b: {  	[tilespmem:s18+$0x9050] =	vst v4;
	v4 =	vadd.s32 v1, v63  }
0x3c: {  	s20 =	simm.s32 $0xA240;
	s19 =	simm.s32 $0x0;
	[tilespmem:s18+$0x9060] =	vst v4;
	s18 =	simm.s32 $0x1C  }
.LBB2_4:
0x3d: {  	s21 =	sadd.s32 $0xFFFFFFE4, s18  }
0x3e: {  	v4 =	vmov s21  }
0x3f: {  	v4 =	vand.u32 $0xFFFFFFE0, v4  }
0x40: {  	v4 =	vbroadcast v4, $0x0;
	_ =	sdelay $0x1  }
0x41: {  	v5 =	vor.u32 v0, v4;
	_ =	sdelay $0x4  }
0x42: {  	v5 =	vld.idx.msk [tilespmem:v5+s11+$0x0], $0xffff;
	_ =	sdelay $0x4  }
0x43: {  	v6 =	vor.u32 s19, v2;
	v5 =	vshll.u32 v5, $0x2  }
0x44: {  	v5 =	vor.u32 v2, v5;
	_ =	sdelay $0x3  }
0x45: {  	v6 =	vld.idx.msk [tilespmem:v6+s12+$0x0], $0xffff  }
0x46: {  	v5 =	vld.idx.msk [tilespmem:v5+s2+$0x0], $0xffff;
	_ =	sdelay $0x2  }
0x47: {  	v4 =	vor.u32 v3, v4;
	_ =	sdelay $0x1  }
0x48: {  	v5 =	vsub.f32 v5, v6;
	_ =	sdelay $0x1  }
0x49: {  	[tilespmem:s20+$0xFFFFFFC0] =	vst v5  }
0x4a: {  	v4 =	vld.idx.msk [tilespmem:v4+s11+$0x0], $0xffff;
	_ =	sdelay $0x4  }
0x4b: {  	v4 =	vshll.u32 v4, $0x2  }
0x4c: {  	v4 =	vor.u32 v2, v4;
	_ =	sdelay $0x2  }
0x4d: {  	s26 =	sadd.s32 $0xFFFFFFEC, s18  }
0x4e: {  	v5 =	vmov s26  }
0x4f: {  	v5 =	vand.u32 $0xFFFFFFE8, v5;
	v4 =	vld.idx.msk [tilespmem:v4+s2+$0x0], $0xffff  }
0x50: {  	v5 =	vbroadcast v5, $0x0;
	_ =	sdelay $0x1  }
0x51: {  	v5 =	vor.u32 v0, v5;
	_ =	sdelay $0x1  }
0x52: {  	v4 =	vsub.f32 v4, v6;
	_ =	sdelay $0x1  }
0x53: {  	[tilespmem:s20+$0xFFFFFFD0] =	vst v4  }
0x54: {  	v4 =	vld.idx.msk [tilespmem:v5+s11+$0x0], $0xffff;
	_ =	sdelay $0x4  }
0x55: {  	v4 =	vshll.u32 v4, $0x2  }
0x56: {  	v4 =	vor.u32 v2, v4;
	_ =	sdelay $0x2  }
0x57: {  	s28 =	sadd.s32 $0xFFFFFFF0, s18  }
0x58: {  	v5 =	vmov s28  }
0x59: {  	v5 =	vand.u32 $0xFFFFFFE8, v5;
	v4 =	vld.idx.msk [tilespmem:v4+s2+$0x0], $0xffff  }
0x5a: {  	v5 =	vbroadcast v5, $0x0;
	_ =	sdelay $0x1  }
0x5b: {  	v5 =	vor.u32 v3, v5;
	_ =	sdelay $0x1  }
0x5c: {  	v4 =	vsub.f32 v4, v6;
	_ =	sdelay $0x1  }
0x5d: {  	[tilespmem:s20+$0xFFFFFFE0] =	vst v4  }
0x5e: {  	v4 =	vld.idx.msk [tilespmem:v5+s11+$0x0], $0xffff;
	_ =	sdelay $0x4  }
0x5f: {  	v4 =	vshll.u32 v4, $0x2  }
0x60: {  	v4 =	vor.u32 v2, v4;
	_ =	sdelay $0x2  }
0x61: {  	s29 =	sadd.s32 $0xFFFFFFF4, s18  }
0x62: {  	v5 =	vmov s29  }
0x63: {  	v5 =	vand.u32 $0xFFFFFFF0, v5;
	v4 =	vld.idx.msk [tilespmem:v4+s2+$0x0], $0xffff  }
0x64: {  	v5 =	vbroadcast v5, $0x0;
	_ =	sdelay $0x1  }
0x65: {  	v5 =	vor.u32 v0, v5;
	_ =	sdelay $0x1  }
0x66: {  	v4 =	vsub.f32 v4, v6;
	_ =	sdelay $0x1  }
0x67: {  	[tilespmem:s20+$0xFFFFFFF0] =	vst v4  }
0x68: {  	v4 =	vld.idx.msk [tilespmem:v5+s11+$0x0], $0xffff;
	_ =	sdelay $0x4  }
0x69: {  	v4 =	vshll.u32 v4, $0x2  }
0x6a: {  	v4 =	vor.u32 v2, v4;
	_ =	sdelay $0x2  }
0x6b: {  	s30 =	sadd.s32 $0xFFFFFFF8, s18  }
0x6c: {  	v5 =	vmov s30  }
0x6d: {  	v5 =	vand.u32 $0xFFFFFFF0, v5;
	v4 =	vld.idx.msk [tilespmem:v4+s2+$0x0], $0xffff  }
0x6e: {  	v5 =	vbroadcast v5, $0x0;
	_ =	sdelay $0x1  }
0x6f: {  	v5 =	vor.u32 v3, v5;
	_ =	sdelay $0x1  }
0x70: {  	v4 =	vsub.f32 v4, v6;
	_ =	sdelay $0x1  }
0x71: {  	[tilespmem:s20+$0x0] =	vst v4  }
0x72: {  	v4 =	vld.idx.msk [tilespmem:v5+s11+$0x0], $0xffff;
	_ =	sdelay $0x4  }
0x73: {  	v4 =	vshll.u32 v4, $0x2  }
0x74: {  	v4 =	vor.u32 v2, v4;
	_ =	sdelay $0x2  }
0x75: {  	s31 =	sadd.s32 $0xFFFFFFFC, s18  }
0x76: {  	v5 =	vmov s31  }
0x77: {  	v5 =	vand.u32 $0xFFFFFFF8, v5;
	v4 =	vld.idx.msk [tilespmem:v4+s2+$0x0], $0xffff  }
0x78: {  	v5 =	vbroadcast v5, $0x0;
	_ =	sdelay $0x1  }
0x79: {  	v5 =	vor.u32 v0, v5;
	_ =	sdelay $0x1  }
0x7a: {  	v4 =	vsub.f32 v4, v6;
	_ =	sdelay $0x1  }
0x7b: {  	[tilespmem:s20+$0x10] =	vst v4  }
0x7c: {  	v4 =	vld.idx.msk [tilespmem:v5+s11+$0x0], $0xffff;
	_ =	sdelay $0x4  }
0x7d: {  	v4 =	vshll.u32 v4, $0x2  }
0x7e: {  	v4 =	vor.u32 v2, v4;
	_ =	sdelay $0x3  }
0x7f: {  	v5 =	vmov s18  }
0x80: {  	v5 =	vand.u32 $0xFFFFFFF8, v5;
	v4 =	vld.idx.msk [tilespmem:v4+s2+$0x0], $0xffff  }
0x81: {  	v5 =	vbroadcast v5, $0x0;
	_ =	sdelay $0x1  }
0x82: {  	v5 =	vor.u32 v3, v5;
	_ =	sdelay $0x1  }
0x83: {  	v4 =	vsub.f32 v4, v6;
	_ =	sdelay $0x1  }
0x84: {  	[tilespmem:s20+$0x20] =	vst v4  }
0x85: {  	v4 =	vld.idx.msk [tilespmem:v5+s11+$0x0], $0xffff;
	_ =	sdelay $0x4  }
0x86: {  	v4 =	vshll.u32 v4, $0x2  }
0x87: {  	v4 =	vor.u32 v2, v4;
	_ =	sdelay $0x4  }
0x88: {  	v4 =	vld.idx.msk [tilespmem:v4+s2+$0x0], $0xffff;
	_ =	sdelay $0x1  }
0x89: {  	p0 =	sne.s32 s18, $0xFFC  }
.Ltmp1:
0x8a: {  	_ = 	snop;
	(pc) =	sbr.rel @p0 .LBB2_4-.Ltmp1, $3  }
0x8b: {  	_ = 	snop  }
0x8c: {  	v4 =	vsub.f32 v4, v6;
	_ =	sdelay $0x1  }
0x8d: {  	s19 =	sadd.s32 $0x4, s19;
	s18 =	sadd.s32 $0x20, s18;
	[tilespmem:s20+$0x30] =	vst v4;
	s20 =	sadd.s32 $0x80, s20  }
0x8e: {  	s18 =	simm.s32 $0x0  }
0x8f: {  	[hbm4b:s7+s18] =	stream.linear.scatter [tilespmem:s13], [sflag:$0x2], $0x4000, $0x38;
	[tilespmem:$0x10200] =	vst v63  }
0x90: {  	_ =	swait.ge [sflag:s10], $0x4000  }
0x91: {  	[sflag:s10] =	ssyncset.done $0x0  }
0x92: {  	s31 =	simm.s32 $0x9000;
	[sflag:s10] =	ssyncadd.s32 $0xFFFFC000  }
0x93: {  	[tilespmem:s15], [sflag:$0x1] =	stream.indirect.gather [hbm4b:s3+s14], $0x40, s31, s14, $0xb8;
	[tilespmem:$0x10200] =	vst v63  }
0x94: {  	_ =	swait.ge [sflag:s16], $0x2000  }
0x95: {  	[sflag:s16] =	ssyncset.done $0x0  }
0x96: {  	[sflag:s16] =	ssyncadd.s32 $0xFFFFE000  }
0x97: {  	[hbm4b:s9+s2] =	stream.linear.scatter [tilespmem:s15], [sflag:$0x2], $0x2000, $0x38;
	[tilespmem:$0x10200] =	vst v63  }
0x98: {  	s19 =	simm.s32 $0x400;
	_ =	swait.ge [sflag:s10], $0x2000  }
0x99: {  	s20 =	simm.s32 $0x80;
	s18 =	sadd.s32 $0x400, s9;
	[sflag:s10] =	ssyncset.done $0x0  }
.LBB2_6:
0x9a: {  	s20 =	sadd.s32 $0x9000, s20  }
0x9b: {  	[sflag:s10] =	ssyncadd.s32 $0xFFFFE000;
	s21 =	smov.u32 s19;
	s22 =	sadd.s32 $0x200, s19  }
0x9c: {  	[tilespmem:s15], [sflag:$0x1] =	stream.indirect.gather [hbm4b:s3+s14], $0x40, s20, s14, $0xb8;
	[tilespmem:$0x10200] =	vst v63  }
0x9d: {  	p0 =	sne.s32 s19, $0x3E00;
	_ =	swait.ge [sflag:s16], $0x2000  }
.Ltmp2:
0x9e: {  	[sflag:s16] =	ssyncset.done $0x0;
	(pc) =	sbr.rel @p0 .LBB2_6-.Ltmp2, $4  }
0x9f: {  	[sflag:s16] =	ssyncadd.s32 $0xFFFFE000  }
0xa0: {  	[hbm4b:s18+s2] =	stream.linear.scatter [tilespmem:s15], [sflag:$0x2], $0x2000, $0x38;
	[tilespmem:$0x10200] =	vst v63  }
0xa1: {  	s20 =	sshra.s32 s21, $0x2;
	_ =	swait.ge [sflag:s10], $0x2000  }
0xa2: {  	s19 =	smov.u32 s22;
	s18 =	sadd.s32 $0x400, s18;
	[sflag:s10] =	ssyncset.done $0x0  }
0xa3: {  	s19 =	sadd.s32 $0x9000, s20;
	[sflag:s10] =	ssyncadd.s32 $0xFFFFE000  }
0xa4: {  	[tilespmem:s15], [sflag:$0x1] =	stream.indirect.gather [hbm4b:s3+s14], $0x40, s19, s14, $0xb8;
	[tilespmem:$0x10200] =	vst v63  }
0xa5: {  	s17 =	sadd.s32 $0x1, s17;
	_ =	swait.ge [sflag:s16], $0x2000  }
0xa6: {  	p0 =	sne.s32 s17, s8;
	[sflag:s16] =	ssyncset.done $0x0  }
.Ltmp3:
0xa7: {  	[sflag:s16] =	ssyncadd.s32 $0xFFFFE000;
	(pc) =	sbr.rel @p0 .LBB2_1-.Ltmp3, $4  }
0xa8: {  	[hbm4b:s18+s2] =	stream.linear.scatter [tilespmem:s15], [sflag:$0x2], $0x2000, $0x38;
	[tilespmem:$0x10200] =	vst v63  }
0xa9: {  	_ =	swait.ge [sflag:s10], $0x2000  }
0xaa: {  	[sflag:s10] =	ssyncset.done $0x0  }
0xab: {  	[sflag:s10] =	ssyncadd.s32 $0xFFFFE000  }
0xac: {  	_ =	sfence.sel $0x180000  }
0xad: {  	[bflag:$0x0] =	sbarrier.arrive $0xFFFF  }
0xae: {  	p0 =	sne.s32 s1, $0x0;
	_ =	strace $0x9000004A  }
0xaf: {  	s0 =	sadd.s32 @!p0 $0x100000, s0;
	[bflag:$0x2] =	sbarrier.arrive $0xFFFF  }
0xb0: {  	[sflag:s0] =	ssyncadd.tile.s32 @!p0 $0x1;
	_ =	shalt  }
.Lfunc_end2:
_tile_overlayer_lowered:
.L_overlay_start_2:
0xb1: {  	(tag) =	ssettag $0x2  }
0xb2: {  	s0 =	rddreg [dreg:$0x0];
	s2 =	stileid.u32  }
0xb3: {  	s1 =	rddreg [dreg:$0x1];
	p0 =	sne.s32 s2, $0x0  }
0xb4: {  	s3 =	rddreg [dreg:$0x2];
	[bflag:$0x3] =	sbarrier.arrive $0xFFFF;
	s2 =	simm.s32 @!p0 $0x1C02  }
0xb5: {  	[timem:s3], [sflag:s2] =	dma.local @!p0 [hbm:s0], s1  }
0xb6: {  	s0 =	simm.s32 @!p0 $0x2  }
0xb7: {  	_ =	swait.ge @!p0 [sflag:s0], s1  }
0xb8: {  	s1 =	ssub.s32 @!p0 $0x0, s1;
	[sflag:s0] =	ssyncset.done @!p0 $0x0  }
0xb9: {  	[sflag:s0] =	ssyncadd.s32 @!p0 s1  }
0xba: {  	[bflag:$0x3] =	sbarrier.arrive $0xFFFF  }
0xbb: {  	_ =	shalt  }

// kernel: sparse-core-data-format-call.cloned.1.call-start
scs
called_computation_lowered:
.L_overlay_start_0:
0x0: {  	s1 =	sld [smem:$0x3FD9]  }
0x1: {  	s2 =	sld [smem:$0x3FFE];
	_ =	sdelay $0x1  }
0x2: {  	s3 =	srdreg.scid  }
0x3: {  	s0 =	sand.u32 $0x1, s3  }
0x4: {  	s17 =	sshll.u32 s0, $0xA;
	s1 =	sadd.s32 s2, s1  }
0x5: {  	s1 =	sadd.s32 s1, s17  }
0x6: {  	[smem:$0x3FC6] =	sst s1  }
0x7: {  	_ = 	snop  }
0x8: {  	(tm) =	ssettm $0x1  }
0x9: {  	s18 =	sld [smem:$0x3FFB];
	_ =	sdelay $0x3  }
0xa: {  	_ =	strace s18  }
0xb: {  	s1 =	sld [smem:$0x3FFC];
	_ =	sdelay $0x3  }
0xc: {  	_ =	strace s1  }
0xd: {  	s1 =	sld [smem:$0x3FFD];
	_ =	sdelay $0x3  }
0xe: {  	_ =	strace s1  }
0xf: {  	_ =	strace $0x8FFFFFFF  }
0x10: {  	s19 =	sld [smem:$0x3FDB];
	_ =	sdelay $0x1  }
0x11: {  	s20 =	simm.s32 $_scs_section_size  }
0x12: {  	s4 =	simm.s32 $_size__tile_overlayer_lowered;
	s5 =	simm.s32 $_tile_overlayer_lowered  }
0x13: {  	s23 =	simm.s32 $0x1BFF;
	s22 =	sshll.u32 s5, $0x1;
	s1 =	sadd.s32 s20, s19  }
0x14: {  	s6 =	simm.s32 $0x0;
	s21 =	sshll.u32 s4, $0x1;
	s4 =	sadd.s32 s22, s1  }
0x15: {  	[timem:s6], [sflag:s23] =	dma.local [hbm:s4], s21  }
0x16: {  	_ =	swait.ge [sflag:s23], s21  }
0x17: {  	s2 =	ssub.s32 $0x0, s21;
	[sflag:s23] =	ssyncset.done $0x0  }
0x18: {  	[sflag:s23] =	ssyncadd.s32 s2;
	_ =	sdelay $0x1  }
0x19: {  	s24 =	simm.s32 $0x1B8B  }
0x1a: {  	_ =	swait.ge [sflag:s24], $0x1  }
0x1b: {  	[sflag:s24] =	ssyncset.done $0x0  }
0x1c: {  	s26 =	simm.s32 $0x1B8E;
	s25 =	sld [smem:$0x3FFE];
	[sflag:s24] =	ssyncadd.s32 $0xFFFFFFFF  }
0x1d: {  	s27 =	simm.s32 $execute0_lowered;
	[smem:$0x3FD2] =	sst s26  }
0x1e: {  	s4 =	sshll.u32 s27, $0x1;
	_ =	strace $0x8000004C;
	[dreg:$0x1] =	wrdreg $0xFFFFFFFF  }
0x1f: {  	s28 =	simm.s32 $_size_execute0_lowered;
	s1 =	sadd.s32 s1, s4;
	[dreg:$0x0] =	wrdreg $0x0  }
0x20: {  	s4 =	sshll.u32 s28, $0x1;
	[dreg:$0x2] =	wrdreg s1  }
0x21: {  	[dreg:$0x3] =	wrdreg s4  }
0x22: {  	[dreg:$0x4] =	wrdreg $0xC0  }
0x23: {  	_ =	task [dreg:s6], $0x5FFFF  }
0x24: {  	[dreg:$0x1] =	wrdreg $0xFFFFFFFF  }
0x25: {  	[dreg:$0x0] =	wrdreg $0x60  }
0x26: {  	[dreg:$0x2] =	wrdreg s25  }
0x27: {  	[dreg:$0x3] =	wrdreg $0x9  }
0x28: {  	_ =	task.clear_ibuf [dreg:s6], $0x4FFFF;
	_ =	strace $0x9000004C  }
0x29: {  	s29 =	simm.s32 $0x9;
	_ =	strace $0x8000004E  }
0x2a: {  	_ =	swait.ge [sflag:s29], $0x1  }
0x2b: {  	[sflag:s29] =	ssyncadd.s32 $0xFFFFFFFF  }
0x2c: {  	_ =	strace $0x9000004E  }
0x2d: {  	_ =	sfence  }
0x2e: {  	s30 =	sld [smem:$0x0];
	_ =	sdelay $0x2  }
0x2f: {  	s31 =	sshll.u32 s3, $0xD;
	s3 =	sshrl.u32 s3, $0x2  }
0x30: {  	s2 =	sand.u32 $0x4000, s31;
	s1 =	sadd.s32 s3, s30  }
0x31: {  	s0 =	sor.u32 s2, s0;
	s1 =	sshll.u32 s1, $0x11  }
0x32: {  	s0 =	sor.u32 s1, s0  }
0x33: {  	s0 =	sadd.s32 $0x8F2B, s0  }
0x34: {  	[sflag:s0] =	ssyncadd.remote.s32 $0x1  }
0x35: {  	_ =	sfence.sel $0xFFFF  }
0x36: {  	[dreg:$0x0] =	wrdreg $0xFFFFFFFF;
	(pc) =	sbr.abs _section_cstart, $3  }
0x37: {  	[dreg:$0x1] =	wrdreg $0xFFFFFFFF  }
0x38: {  	_ =	task.clear_ibuf [dreg:s6], $0x2FFFF;
	_ =	strace $0x9FFFFFFF  }
0x39: {  	(tm) =	ssettm $0x7FFFFFFF  }
tec
execute0_lowered:
.L_overlay_start_1:
0x0: {  	(tag) =	ssettag $0x1  }
0x1: {  	s0 =	stileid.u32;
	s9 =	rddreg [dreg:$0x0]  }
0x2: {  	s1 =	rddreg [dreg:$0x1];
	s3 =	srdreg.scid;
	s11 =	simm.s32 $0x1  }
0x3: {  	_ =	strace $0x8000004D;
	s31 =	simm.s32 $0x2;
	s18 =	simm.s32 $0x0  }
0x4: {  	s16 =	simm.s32 $0x0;
	s17 =	simm.s32 $0x0;
	s2 =	sshll.u32 s0, $0x5  }
0x5: {  	s15 =	simm.s32 $0x0;
	s4 =	sshll.u32 s0, $0x1;
	s2 =	sand.u32 $0x180, s2  }
0x6: {  	s3 =	sand.u32 $0x1, s3;
	s4 =	sand.u32 $0x6, s4;
	s5 =	ssub.s32 $0x200, s2  }
0x7: {  	s10 =	ssub.s32 $0x20, s3;
	s12 =	smov.u32 s3;
	s6 =	sand.u32 $0x180, s5  }
0x8: {  	s7 =	ssub.s32 $0x8, s4;
	p0 =	sne.s32 s6, $0x0;
	s6 =	simm.s32 $0x1  }
0x9: {  	s29 =	sshrl.u32 s10, $0x1;
	s5 =	sshrl.u32 s5, $0x9;
	s6 =	simm.s32 @!p0 $0x0  }
0xa: {  	s8 =	sand.u32 $0x6, s7;
	s30 =	ssub.s32 s10, s29;
	s5 =	sadd.s32 s6, s5  }
0xb: {  	s13 =	smov.u32 s2;
	p0 =	sne.s32 s8, $0x0;
	s8 =	smul.u32 s30, s5  }
.Ltmp0:
0xc: {  	s7 =	sshrl.u32 s7, $0x3;
	s11 =	simm.s32 @!p0 $0x0;
	(pc) =	sbr.rel .LBB1_1-.Ltmp0, $4  }
0xd: {  	s14 =	smov.u32 s4;
	s6 =	simm.s32 $0x1;
	s7 =	sadd.s32 s11, s7  }
0xe: {  	p0 =	por $0x0, $0x0;
	[sflag:s6] =	ssyncpa.u1 $0x0;
	s7 =	smul.u32 s7, s8  }
0xf: {  	s5 =	sadd.s32 $0x9AA00, s9;
	s11 =	simm.s32 $0x4000;
	[sflag:s31] =	ssyncpa.u1 $0x0  }
0x10: {  	s8 =	sadd.s32 $0x29AA00, s9;
	s9 =	sadd.s32 $0xDAA00, s9;
	s10 =	sadd.s32 $0x1, s7  }
.LBB1_7:
0x11: {  	s19 =	sadd.s32 $0x2, s12  }
0x12: {  	s16 =	sadd.s32 $0x200, s13;
	s20 =	smov.u32 s13;
	p2 =	sgt.s32 s19, $0x1F  }
0x13: {  	s20 =	smov.u32 @p2 s16  }
0x14: {  	s22 =	smov.u32 s14;
	s16 =	sadd.s32 $0x8, s14;
	p3 =	sgt.s32 s20, $0x1FF  }
0x15: {  	s22 =	smov.u32 @p3 s16  }
0x16: {  	s19 =	smov.u32 @p2 s3;
	p2 =	sgt.s32 s22, $0x7  }
0x17: {  	p1 =	slt.u32 s15, $0x2;
	s22 =	smov.u32 @p2 s4;
	p2 =	sne.s32 s15, s10  }
.Ltmp1:
0x18: {  	s21 =	simm.s32 @!p1 $0x2;
	(pc) =	sbr.rel @!p2 .LBB1_8-.Ltmp1, $4  }
0x19: {  	s18 =	smov.u32 s12;
	s17 =	smov.u32 s14;
	_ =	swait.ge @!p1 [sflag:s21], $0x4000  }
0x1a: {  	p0 =	por !p0, !p0;
	[sflag:s21] =	ssyncset.done @!p1 $0x0;
	s12 =	smov.u32 s19  }
0x1b: {  	s20 =	smov.u32 @p3 s2;
	s16 =	smov.u32 s13;
	[sflag:s21] =	ssyncadd.s32 @!p1 $0xFFFFC000  }
0x1c: {  	s13 =	smov.u32 s20;
	s15 =	sadd.s32 $0x1, s15;
	s14 =	smov.u32 s22  }
.LBB1_1:
0x1d: {  	p1 =	sge.u32 s15, s7  }
0x1e: {  	s19 =	sxor.u32 @!p1 $0xFFFFFFFF, s15;
	s20 =	sshll.u32 @!p1 s14, $0x12  }
0x1f: {  	s21 =	sshll.u32 @!p1 s13, $0x9;
	s23 =	sshll.u32 @!p1 s12, $0x4;
	s24 =	simm.s32 @!p1 $0x40  }
0x20: {  	s25 =	simm.s32 @!p1 $0x1000;
	s19 =	sshll.u32 @!p1 s19, $0xE;
	s22 =	sadd.s32 @!p1 s20, s21  }
0x21: {  	s23 =	sand.u32 @!p1 $0x1F0, s23;
	s20 =	sadd.s32 @!p1 s20, s9;
	s22 =	sadd.s32 @!p1 s5, s22  }
0x22: {  	s19 =	sand.u32 @!p1 $0x4000, s19;
	s20 =	sadd.s32 @!p1 s21, s20;
	s22 =	sadd.s32 @!p1 s23, s22  }
0x23: {  	[tilespmem:s19], [sflag:$0x1] =	stream.strided.gather @!p1 [hbm4b:s22+s24], $0x2000, s25, s24, $0x38;
	[tilespmem:$0x10100] =	vst v63  }
0x24: {  	s31 =	sadd.s32 $0xFFFFFFFF, s15;
	s20 =	sadd.s32 @!p1 s23, s20;
	s19 =	sor.u32 @!p1 $0x2000, s19  }
0x25: {  	[tilespmem:s19], [sflag:$0x1] =	stream.strided.gather @!p1 [hbm4b:s20+s24], $0x2000, s25, s24, $0x38;
	[tilespmem:$0x10100] =	vst v63  }
0x26: {  	p1 =	sge.u32 s31, s7  }
.Ltmp2:
0x27: {  	_ = 	snop;
	(pc) =	sbr.rel @p1 .LBB1_7-.Ltmp2, $1  }
0x28: {  	_ =	sdelay $0x3  }
0x29: {  	s19 =	simm.s32 $0x1;
	s21 =	sand.u32 $0x1, s15  }
0x2a: {  	_ =	swait.ge [sflag:s6], $0x4000;
	s19 =	simm.s32 @!p0 $0x0;
	s21 =	smul.u32 $0x10200, s21  }
0x2b: {  	p2 =	por $0x1, $0x1;
	[sflag:s6] =	ssyncset.done $0x0;
	s20 =	smul.u32 $0x10200, s19  }
0x2c: {  	s22 =	sshll.u32 s19, $0x10;
	[sflag:s6] =	ssyncadd.s32 $0xFFFFC000;
	s30 =	sshrl.u32 s21, $0x2  }
0x2d: {  	s31 =	sshrl.u32 s22, $0x2;
	s22 =	simm.s32 $0x0;
	s20 =	sshrl.u32 s20, $0x2  }
0x2e: {  	s19 =	sor.u32 $0x8000, s30;
	s21 =	sadd.s32 $0x20, s31;
	s20 =	sor.u32 $0x8000, s20  }
.LBB1_3:
0x2f: {  	s23 =	sshll.u32 s22, $0xD  }
0x30: {  	s23 =	sand.u32 $0x3FFFE000, s23  }
0x31: {  	s25 =	sadd.s32 s23, s21  }
0x32: {  	s31 =	smul.u32 $0x8100, s22;
	v3 =	vld [tilespmem:s25+$0x10]  }
0x33: {  	v1 =	vld [tilespmem:s25+$0xFFFFFFF0]  }
0x34: {  	s22 =	sshra.s32 s31, $0x2;
	v0 =	vld [tilespmem:s25+$0x0]  }
0x35: {  	s22 =	sadd.s32 s22, s20;
	v2 =	vld [tilespmem:s25+$0xFFFFFFE0]  }
0x36: {  	s23 =	sadd.s32 $0x0, s22  }
0x37: {  	p1 =	por p2, p2;
	s24 =	simm.s32 $0x4;
	s25 =	sadd.s32 $0x40, s25;
	[tilespmem:s23+$0x1830 ss:$0x81] =	vst.msk $0xffff, v3  }
.LBB1_4:
0x38: {  	v3 =	vld [tilespmem:s25+$0x10];
	p2 =	sne.s32 s24, $0x1FC;
	[tilespmem:s23+$0x810 ss:$0x81] =	vst.msk $0xffff, v1;
	s26 =	smov.u32 s24;
	s24 =	sadd.s32 $0x4, s24  }
.Ltmp3:
0x39: {  	v1 =	vld [tilespmem:s25+$0xFFFFFFF0];
	[tilespmem:s23+$0x1020 ss:$0x81] =	vst.msk $0xffff, v0;
	(pc) =	sbr.rel @p2 .LBB1_4-.Ltmp3, $4  }
0x3a: {  	v0 =	vld [tilespmem:s25+$0x0];
	[tilespmem:s23+$0x0 ss:$0x81] =	vst.msk $0xffff, v2  }
0x3b: {  	s23 =	sshra.s32 s26, $0x2;
	v2 =	vld [tilespmem:s25+$0xFFFFFFE0]  }
0x3c: {  	s23 =	sadd.s32 s23, s22  }
0x3d: {  	s25 =	sadd.s32 $0x40, s25;
	[tilespmem:s23+$0x1830 ss:$0x81] =	vst.msk $0xffff, v3  }
.Ltmp4:
0x3e: {  	(pc) =	sbr.rel @p1 .LBB1_3-.Ltmp4, $4  }
0x3f: {  	_ = 	snop  }
0x40: {  	[tilespmem:s23+$0x810 ss:$0x81] =	vst.msk $0xffff, v1  }
0x41: {  	[tilespmem:s23+$0x1020 ss:$0x81] =	vst.msk $0xffff, v0  }
0x42: {  	s22 =	simm.s32 $0x1;
	p2 =	por $0x0, $0x0;
	[tilespmem:s23+$0x0 ss:$0x81] =	vst.msk $0xffff, v2  }
0x43: {  	s20 =	sshll.u32 s18, $0x9;
	s21 =	sshll.u32 s16, $0x3  }
0x44: {  	s29 =	sshll.u32 s18, $0x7;
	s22 =	sand.u32 $0x78, s16;
	s17 =	sshll.u32 s17, $0x11  }
0x45: {  	s31 =	sand.u32 $0x7, s16;
	s20 =	sand.u32 $0x3000, s20;
	s21 =	sand.u32 $0x3C00, s21  }
0x46: {  	s30 =	sand.u32 $0x200, s29;
	s18 =	sand.u32 $0x180, s29;
	s20 =	sadd.s32 s21, s20  }
.Ltmp5:
0x47: {  	s18 =	sor.u32 s22, s18;
	s20 =	sor.u32 s30, s20;
	(pc) =	sbr.rel .LBB1_7-.Ltmp5, $4  }
0x48: {  	s17 =	sadd.s32 s8, s17;
	s18 =	sshrl.u32 s18, $0x3;
	s20 =	sshrl.u32 s20, $0x3  }
0x49: {  	s16 =	sshll.u32 s31, $0x12;
	s17 =	sadd.s32 s18, s17;
	s20 =	sand.u32 $0x7C0, s20  }
0x4a: {  	s16 =	sor.u32 $0x80, s16;
	s17 =	sadd.s32 s20, s17  }
0x4b: {  	[hbm4b:s17+s16] =	stream.strided.scatter [tilespmem:s19], [sflag:$0x2], $0x4000, s11, s16, $0x20;
	[tilespmem:$0x10100] =	vst v63  }
.LBB1_8:
0x4c: {  	_ =	sfence.sel $0x180000  }
0x4d: {  	s2 =	simm.s32 $0x1;
	[bflag:$0x0] =	sbarrier.arrive $0xFFFF  }
0x4e: {  	s31 =	simm.s32 $0x2;
	[sflag:s2] =	ssyncpa.u1 $0x1  }
0x4f: {  	[sflag:s31] =	ssyncpa.u1 $0x1  }
0x50: {  	p0 =	sne.s32 s0, $0x0;
	_ =	strace $0x9000004D  }
0x51: {  	s0 =	sadd.s32 @!p0 $0x100000, s1;
	[bflag:$0x2] =	sbarrier.arrive $0xFFFF  }
0x52: {  	[sflag:s0] =	ssyncadd.tile.s32 @!p0 $0x1;
	_ =	shalt  }
.Lfunc_end1:
_tile_overlayer_lowered:
.L_overlay_start_2:
0x53: {  	(tag) =	ssettag $0x2  }
0x54: {  	s0 =	rddreg [dreg:$0x0];
	s2 =	stileid.u32  }
0x55: {  	s1 =	rddreg [dreg:$0x1];
	p0 =	sne.s32 s2, $0x0  }
0x56: {  	s3 =	rddreg [dreg:$0x2];
	[bflag:$0x3] =	sbarrier.arrive $0xFFFF;
	s2 =	simm.s32 @!p0 $0x1C01  }
0x57: {  	[timem:s3], [sflag:s2] =	dma.local @!p0 [hbm:s0], s1  }
0x58: {  	s0 =	simm.s32 @!p0 $0x1  }
0x59: {  	_ =	swait.ge @!p0 [sflag:s0], s1  }
0x5a: {  	s1 =	ssub.s32 @!p0 $0x0, s1;
	[sflag:s0] =	ssyncset.done @!p0 $0x0  }
0x5b: {  	[sflag:s0] =	ssyncadd.s32 @!p0 s1  }
0x5c: {  	[bflag:$0x3] =	sbarrier.arrive $0xFFFF  }
0x5d: {  	_ =	shalt  }

</sc_bundles>
